<compile_context>
chip_gen: v7x
topology: tpu7x:2x2x1
jax: 0.10.2.dev20260603
libtpu: 0.0.44.dev20260713+nightly
codegen_flags: <defaults>
</compile_context>

<pallas_src>
import functools

import jax
import jax.numpy as jnp
from jax import lax
from jax.experimental import pallas as pl
from jax.experimental.pallas import tpu as pltpu
from jax.experimental.pallas import tpu_sc as plsc

B = 32
H = 768
NB = 2000

NC = 2
NS = 16
ROWS_PER_BATCH = 200
CHUNKS = ((0, 104), (104, 96))


def _sc_gather_body(table_hbm, idx_hbm, out_hbm, idx_v, rows_v, sem):
    wid = lax.axis_index("s") * NC + lax.axis_index("c")
    base = wid * ROWS_PER_BATCH
    pltpu.sync_copy(idx_hbm.at[pl.ds(base, ROWS_PER_BATCH)], idx_v)
    for off, cnt in CHUNKS:
        pltpu.async_copy(table_hbm.at[idx_v.at[pl.ds(off, cnt)]],
                         rows_v.at[pl.ds(0, cnt)], sem).wait()
        pltpu.sync_copy(rows_v.at[pl.ds(0, cnt)],
                        out_hbm.at[pl.ds(base + off, cnt)])


_sc_gather = functools.partial(
    pl.kernel,
    _sc_gather_body,
    out_type=jax.ShapeDtypeStruct((B * ROWS_PER_BATCH, H), jnp.float32),
    mesh=plsc.VectorSubcoreMesh(core_axis_name="c", subcore_axis_name="s",
                                num_cores=NC, num_subcores=NS),
    scratch_types=[
        pltpu.VMEM((ROWS_PER_BATCH,), jnp.int32),
        pltpu.VMEM((104, H), jnp.float32),
        pltpu.SemaphoreType.DMA,
    ],
)()


def _onehot_gather(table, idx, n):
    oh = (jax.lax.broadcasted_iota(jnp.int32, (idx.shape[0], n), 1)
          == idx[:, None]).astype(jnp.float32)
    return jnp.dot(oh, table, preferred_element_type=jnp.float32)


def _tc_body(img_ref, lab_num_ref, stag_ref,
             spec_idx_ref, test_idx_ref, org_idx_ref, ab_idx_ref,
             dil_idx_ref, micro_num_ref, micro_com_ref, med_ref, fam_ref,
             pat_idx_ref, pat_num_ref, tri_idx_ref, tri_num_ref, chief_ref,
             spec_tab_ref, test_tab_ref, org_tab_ref, ab_tab_ref,
             dil_tab_ref, pat_tab_ref, tri_tab_ref,
             Wlab_ref, blab_ref, Wmic_ref, bmic_ref,
             Wage_ref, bage_ref, Wtri_ref, btri_ref,
             out_ref):
    relu = lambda x: jnp.maximum(x, 0.0)

    out_ref[0, 0:256] = img_ref[0]

    val = relu(jnp.dot(lab_num_ref[0], Wlab_ref[:],
                       preferred_element_type=jnp.float32) + blab_ref[:])
    ids = stag_ref[0]
    out_ref[0, 256:656] = jnp.concatenate([val, ids], axis=1).reshape(400, H)

    spec_f = _onehot_gather(spec_tab_ref[:], spec_idx_ref[0, 0], 200)
    test_f = _onehot_gather(test_tab_ref[:], test_idx_ref[0, 0], 200)
    org_f = _onehot_gather(org_tab_ref[:], org_idx_ref[0, 0], 800)
    ab_f = _onehot_gather(ab_tab_ref[:], ab_idx_ref[0, 0], 100)
    dil_f = _onehot_gather(dil_tab_ref[:], dil_idx_ref[0, 0], 16)
    dil_val = relu(jnp.dot(micro_num_ref[0], Wmic_ref[:],
                           preferred_element_type=jnp.float32) + bmic_ref[:])
    micro = jnp.concatenate(
        [spec_f, test_f, org_f, ab_f, dil_f, dil_val, micro_com_ref[0]],
        axis=1).reshape(105, H)
    out_ref[0, 656:761] = micro

    out_ref[0, 761:889] = med_ref[0]
    out_ref[0, 889:953] = fam_ref[0]

    pat_f = _onehot_gather(pat_tab_ref[:], pat_idx_ref[0, 0], 64)
    age = relu(jnp.dot(pat_num_ref[0], Wage_ref[:],
                       preferred_element_type=jnp.float32) + bage_ref[:])
    out_ref[0, 953:956] = pat_f
    out_ref[0, 956:957] = age

    vit = relu(jnp.dot(tri_num_ref[0], Wtri_ref[:],
                       preferred_element_type=jnp.float32) + btri_ref[:])
    pa_f = _onehot_gather(tri_tab_ref[:], tri_idx_ref[0, 0], 32)
    out_ref[0, 957:963] = vit
    out_ref[0, 963:965] = pa_f

    out_ref[0, 965:997] = chief_ref[0]


def kernel(image_feature, labevent_number_input, labevent_category_input,
           microbiology_category_input, microbiology_number_input,
           microbiology_comment_embeddings, medical_history_embeddings,
           family_history_embeddings, patient_category_input,
           patient_number_input, triage_category_input, triage_number_input,
           chiefcomplaint_embedding, total_attention_mask,
           multimodal_input_type, labevent_table, spec_table, test_table,
           org_table, ab_table, dil_table, patient_table, triage_table,
           W_lab, b_lab, W_micro, b_micro, W_age, b_age, W_triage, b_triage):
    i32 = jnp.int32

    lab_idx_flat = labevent_category_input.astype(i32).reshape(
        B * ROWS_PER_BATCH)
    staging = _sc_gather(labevent_table, lab_idx_flat)
    staging = staging.reshape(B, ROWS_PER_BATCH, H)

    spec_idx = microbiology_category_input[:, 0::5].astype(i32).reshape(B, 1, 15)
    test_idx = microbiology_category_input[:, 1::5].astype(i32).reshape(B, 1, 15)
    org_idx = microbiology_category_input[:, 2::5].astype(i32).reshape(B, 1, 15)
    ab_idx = microbiology_category_input[:, 3::5].astype(i32).reshape(B, 1, 15)
    dil_idx = microbiology_category_input[:, 4::5].astype(i32).reshape(B, 1, 15)
    pat_idx = patient_category_input.astype(i32).reshape(B, 1, 3)
    tri_idx = triage_category_input[:, -2:].astype(i32).reshape(B, 1, 2)

    def batch_spec(shape):
        nd = len(shape)
        return pl.BlockSpec((1,) + shape, lambda b: (b,) + (0,) * nd)

    def const_spec(shape):
        return pl.BlockSpec(shape, lambda b: (0,) * len(shape))

    in_specs = [
        batch_spec((256, H)),
        batch_spec((200, NB)),
        batch_spec((ROWS_PER_BATCH, H)),
        batch_spec((1, 15)),
        batch_spec((1, 15)),
        batch_spec((1, 15)),
        batch_spec((1, 15)),
        batch_spec((1, 15)),
        batch_spec((15, NB)),
        batch_spec((15, H)),
        batch_spec((128, H)),
        batch_spec((64, H)),
        batch_spec((1, 3)),
        batch_spec((1, NB)),
        batch_spec((1, 2)),
        batch_spec((6, NB)),
        batch_spec((32, H)),
        const_spec((200, H)),
        const_spec((200, H)),
        const_spec((800, H)),
        const_spec((100, H)),
        const_spec((16, H)),
        const_spec((64, H)),
        const_spec((32, H)),
        const_spec((NB, H)),
        const_spec((1, H)),
        const_spec((NB, H)),
        const_spec((1, H)),
        const_spec((NB, H)),
        const_spec((1, H)),
        const_spec((NB, H)),
        const_spec((1, H)),
    ]

    out = pl.pallas_call(
        _tc_body,
        grid=(B,),
        in_specs=in_specs,
        out_specs=pl.BlockSpec((1, 997, H), lambda b: (b, 0, 0)),
        out_shape=jax.ShapeDtypeStruct((B, 997, H), jnp.float32),
    )(
        image_feature, labevent_number_input, staging,
        spec_idx, test_idx, org_idx, ab_idx, dil_idx,
        microbiology_number_input, microbiology_comment_embeddings,
        medical_history_embeddings, family_history_embeddings,
        pat_idx, patient_number_input.astype(jnp.float32),
        tri_idx, triage_number_input.astype(jnp.float32),
        chiefcomplaint_embedding,
        spec_table, test_table, org_table, ab_table, dil_table,
        patient_table, triage_table,
        W_lab, b_lab.reshape(1, H), W_micro, b_micro.reshape(1, H),
        W_age, b_age.reshape(1, H), W_triage, b_triage.reshape(1, H),
    )
    return out

# --- scband reference (transcript-rebuilt; emitter-appended) ---
"""Pipeline reference for scband-multimodal-data-processor-31963146617327 (READ-ONLY COPY).

The authoritative reference and input builder live on the scoring server;
editing this copy changes nothing except your own understanding.
"""

import jax, jax.numpy as jnp
import numpy as np

B = 32
H = 768
NB = 2000


def relu(x):
    return jnp.maximum(x, 0.0)


def setup_inputs(seed: int = 0) -> dict:
    key = jax.random.key(seed)
    keys = list(jax.random.split(key, 40))
    k = iter(keys)
    inp = {}
    inp["image_feature"] = jax.random.normal(next(k), (B, 256, H), dtype=jnp.float32)
    inp["labevent_number_input"] = jax.random.normal(next(k), (B, 200, NB), dtype=jnp.float32)
    inp["labevent_category_input"] = jax.random.randint(next(k), (B, 200), 0, 1000)
    inp["microbiology_category_input"] = jax.random.randint(next(k), (B, 75), 0, 16)
    inp["microbiology_number_input"] = jax.random.normal(next(k), (B, 15, NB), dtype=jnp.float32)
    inp["microbiology_comment_embeddings"] = jax.random.normal(next(k), (B, 15, H), dtype=jnp.float32)
    inp["medical_history_embeddings"] = jax.random.normal(next(k), (B, 128, H), dtype=jnp.float32)
    inp["family_history_embeddings"] = jax.random.normal(next(k), (B, 64, H), dtype=jnp.float32)
    inp["patient_category_input"] = jax.random.randint(next(k), (B, 3), 0, 64)
    inp["patient_number_input"] = jax.random.normal(next(k), (B, 1, NB), dtype=jnp.float32)
    inp["triage_category_input"] = jax.random.randint(next(k), (B, 2), 0, 32)
    inp["triage_number_input"] = jax.random.normal(next(k), (B, 6, NB), dtype=jnp.float32)
    inp["chiefcomplaint_embedding"] = jax.random.normal(next(k), (B, 32, H), dtype=jnp.float32)
    inp["total_attention_mask"] = jnp.ones((B, 997), dtype=jnp.int32)
    inp["multimodal_input_type"] = 0
    # learned parameters
    inp["labevent_table"] = jax.random.normal(next(k), (1000, H), dtype=jnp.float32)
    inp["spec_table"] = jax.random.normal(next(k), (200, H), dtype=jnp.float32)
    inp["test_table"] = jax.random.normal(next(k), (200, H), dtype=jnp.float32)
    inp["org_table"] = jax.random.normal(next(k), (800, H), dtype=jnp.float32)
    inp["ab_table"] = jax.random.normal(next(k), (100, H), dtype=jnp.float32)
    inp["dil_table"] = jax.random.normal(next(k), (16, H), dtype=jnp.float32)
    inp["patient_table"] = jax.random.normal(next(k), (64, H), dtype=jnp.float32)
    inp["triage_table"] = jax.random.normal(next(k), (32, H), dtype=jnp.float32)
    inp["W_lab"] = jax.random.normal(next(k), (NB, H), dtype=jnp.float32) * 0.02
    inp["b_lab"] = jnp.zeros((H,), dtype=jnp.float32)
    inp["W_micro"] = jax.random.normal(next(k), (NB, H), dtype=jnp.float32) * 0.02
    inp["b_micro"] = jnp.zeros((H,), dtype=jnp.float32)
    inp["W_age"] = jax.random.normal(next(k), (NB, H), dtype=jnp.float32) * 0.02
    inp["b_age"] = jnp.zeros((H,), dtype=jnp.float32)
    inp["W_triage"] = jax.random.normal(next(k), (NB, H), dtype=jnp.float32) * 0.02
    inp["b_triage"] = jnp.zeros((H,), dtype=jnp.float32)
    return inp


def reference(image_feature, labevent_number_input, labevent_category_input,
              microbiology_category_input, microbiology_number_input,
              microbiology_comment_embeddings, medical_history_embeddings,
              family_history_embeddings, patient_category_input, patient_number_input,
              triage_category_input, triage_number_input, chiefcomplaint_embedding,
              total_attention_mask, multimodal_input_type,
              labevent_table, spec_table, test_table, org_table, ab_table, dil_table,
              patient_table, triage_table,
              W_lab, b_lab, W_micro, b_micro, W_age, b_age, W_triage, b_triage):
    batch, lab_len, _ = labevent_number_input.shape
    hid = labevent_table.shape[1]
    # labevents
    lab_val_feat = relu(jnp.einsum('bln,nh->blh', labevent_number_input, W_lab) + b_lab)
    lab_id_feat = jnp.take(labevent_table, labevent_category_input, axis=0)
    labevents_embedding = jnp.zeros((batch, lab_len * 2, hid), dtype=jnp.float32)
    labevents_embedding = labevents_embedding.at[:, ::2, :].set(lab_val_feat)
    labevents_embedding = labevents_embedding.at[:, 1::2, :].set(lab_id_feat)
    # microbiology
    spec_f = jnp.take(spec_table, microbiology_category_input[:, 0::5], axis=0)
    test_f = jnp.take(test_table, microbiology_category_input[:, 1::5], axis=0)
    org_f = jnp.take(org_table, microbiology_category_input[:, 2::5], axis=0)
    ab_f = jnp.take(ab_table, microbiology_category_input[:, 3::5], axis=0)
    dil_f = jnp.take(dil_table, microbiology_category_input[:, 4::5], axis=0)
    dil_val_f = relu(jnp.einsum('bln,nh->blh', microbiology_number_input, W_micro) + b_micro)
    micro_emb = jnp.zeros((batch, 105, hid), dtype=jnp.float32)
    micro_emb = micro_emb.at[:, 0::7].set(spec_f)
    micro_emb = micro_emb.at[:, 1::7].set(test_f)
    micro_emb = micro_emb.at[:, 2::7].set(org_f)
    micro_emb = micro_emb.at[:, 3::7].set(ab_f)
    micro_emb = micro_emb.at[:, 4::7].set(dil_f)
    micro_emb = micro_emb.at[:, 5::7].set(dil_val_f)
    micro_emb = micro_emb.at[:, 6::7].set(microbiology_comment_embeddings)
    # patient
    pat_cat_f = jnp.take(patient_table, patient_category_input, axis=0)
    age_f = relu(jnp.einsum('bln,nh->blh', patient_number_input.astype(jnp.float32), W_age) + b_age)
    patient_emb = jnp.zeros((batch, 4, hid), dtype=jnp.float32)
    patient_emb = patient_emb.at[:, :-1, :].set(pat_cat_f)
    patient_emb = patient_emb.at[:, -1, :].set(age_f[:, 0])
    # triage
    vit_f = relu(jnp.einsum('bln,nh->blh', triage_number_input.astype(jnp.float32), W_triage) + b_triage)
    pain_f = jnp.take(triage_table, triage_category_input[:, -2], axis=0)
    acu_f = jnp.take(triage_table, triage_category_input[:, -1], axis=0)
    triage_emb = jnp.zeros((batch, 8, hid), dtype=jnp.float32)
    triage_emb = triage_emb.at[:, :-2, :].set(vit_f)
    triage_emb = triage_emb.at[:, -2, :].set(pain_f)
    triage_emb = triage_emb.at[:, -1, :].set(acu_f)
    input_embeds = jnp.concatenate([image_feature, labevents_embedding, micro_emb,
                                    medical_history_embeddings, family_history_embeddings,
                                    patient_emb, triage_emb, chiefcomplaint_embedding], axis=1)
    return input_embeds

if __name__ == "__main__":
    import jax
    _d = setup_inputs()
    print(jax.jit(kernel)(*tuple(_d.values())))

</pallas_src>

<mosaic_0001>
#map = affine_map<(d0, d1) -> (0, 0)>
#map1 = affine_map<(d0, d1) -> (0)>
module attributes {stable_mosaic.version = 14 : i64} {
  func.func @_sc_gather_body(%arg0: i32, %arg1: i32, %arg2: memref<1000x768xf32, #tpu.memory_space<hbm>>, %arg3: memref<6400xi32, #tpu.memory_space<hbm>>, %arg4: memref<6400x768xf32, #tpu.memory_space<hbm>>, %arg5: memref<200xi32, #tpu.memory_space<vmem>>, %arg6: memref<104x768xf32, #tpu.memory_space<vmem>>, %arg7: memref<!tpu.dma_semaphore, #tpu.memory_space<semaphore_mem>>) attributes {dimension_semantics = [#tpu.dimension_semantics<core_parallel>, #tpu.dimension_semantics<subcore_parallel>], iteration_bounds = array<i64: 2, 16>, scalar_prefetch = 0 : i64, scratch_operands = 3 : i64, tpu.core_type = #tpu.core_type<sc_vector_subcore>, window_params = [{transform_indices = #map}, {transform_indices = #map1}, {transform_indices = #map}]} {
    %mul3A = arith.constant 2 : i32
    %mul3A_0 = arith.muli %arg1, %mul3A : i32
    %add3A = arith.addi %mul3A_0, %arg0 : i32
    %mul3A_1 = arith.constant 200 : i32
    %mul3A_2 = arith.muli %add3A, %mul3A_1 : i32
    "tpu.region"() ({
      %run_scoped3A = tpu.sem_alloc : memref<!tpu.dma_semaphore, #tpu.memory_space<semaphore_mem>>
      %dma_start3A_37 = tpu.memref_slice %arg3[%mul3A_2] : memref<6400xi32, #tpu.memory_space<hbm>> -> memref<200xi32, #tpu.memory_space<hbm>>
      %dma_start3A_38 = tpu.memref_slice %arg3[%mul3A_2] : memref<6400xi32, #tpu.memory_space<hbm>> -> memref<200xi32, #tpu.memory_space<hbm>>
      tpu.enqueue_dma source(%dma_start3A_38 : memref<200xi32, #tpu.memory_space<hbm>>) target(%arg5 : memref<200xi32, #tpu.memory_space<vmem>>) target_semaphore(%run_scoped3A : memref<!tpu.dma_semaphore, #tpu.memory_space<semaphore_mem>>)
      %dma_wait3A_39 = tpu.memref_slice %arg3[%mul3A_2] : memref<6400xi32, #tpu.memory_space<hbm>> -> memref<200xi32, #tpu.memory_space<hbm>>
      %dma_wait3A_40 = tpu.memref_slice %arg3[%mul3A_2] : memref<6400xi32, #tpu.memory_space<hbm>> -> memref<200xi32, #tpu.memory_space<hbm>>
      tpu.wait_dma2 semaphore(%run_scoped3A : memref<!tpu.dma_semaphore, #tpu.memory_space<semaphore_mem>>) src(%dma_wait3A_40 : memref<200xi32, #tpu.memory_space<hbm>>) dst(%arg5 : memref<200xi32, #tpu.memory_space<vmem>>)
      tpu.yield
    }) : () -> ()
    %dma_start3A = arith.constant 0 : i32
    %dma_start3A_3 = arith.constant 0 : i32
    %dma_start3A_4 = tpu.memref_slice %arg6[%dma_start3A, %dma_start3A_3] : memref<104x768xf32, #tpu.memory_space<vmem>> -> memref<104x768xf32, #tpu.memory_space<vmem>>
    %dma_start3A_5 = arith.constant 0 : i32
    %dma_start3A_6 = tpu.memref_slice %arg5[%dma_start3A_5] : memref<200xi32, #tpu.memory_space<vmem>> -> memref<104xi32, #tpu.memory_space<vmem>>
    %dma_start3A_7 = arith.constant 0 : i32
    %dma_start3A_8 = arith.constant 0 : i32
    %dma_start3A_9 = tpu.memref_slice %arg2[%dma_start3A_7, %dma_start3A_8] : memref<1000x768xf32, #tpu.memory_space<hbm>> -> memref<1000x768xf32, #tpu.memory_space<hbm>>
    tpu.enqueue_indirect_dma source(%dma_start3A_9 : memref<1000x768xf32, #tpu.memory_space<hbm>>) target(%dma_start3A_4 : memref<104x768xf32, #tpu.memory_space<vmem>>) offsets(%dma_start3A_6 : memref<104xi32, #tpu.memory_space<vmem>>) semaphore(%arg7 : memref<!tpu.dma_semaphore, #tpu.memory_space<semaphore_mem>>)
    %dma_wait3A = arith.constant 0 : i32
    %dma_wait3A_10 = arith.constant 0 : i32
    %dma_wait3A_11 = tpu.memref_slice %arg6[%dma_wait3A, %dma_wait3A_10] : memref<104x768xf32, #tpu.memory_space<vmem>> -> memref<104x768xf32, #tpu.memory_space<vmem>>
    %dma_wait3A_12 = arith.constant 0 : i32
    %dma_wait3A_13 = tpu.memref_slice %arg5[%dma_wait3A_12] : memref<200xi32, #tpu.memory_space<vmem>> -> memref<104xi32, #tpu.memory_space<vmem>>
    %dma_wait3A_14 = arith.constant 0 : i32
    %dma_wait3A_15 = arith.constant 0 : i32
    %dma_wait3A_16 = tpu.memref_slice %arg2[%dma_wait3A_14, %dma_wait3A_15] : memref<1000x768xf32, #tpu.memory_space<hbm>> -> memref<1000x768xf32, #tpu.memory_space<hbm>>
    tpu.wait_indirect_dma semaphore(%arg7 : memref<!tpu.dma_semaphore, #tpu.memory_space<semaphore_mem>>) src(%dma_wait3A_16 : memref<1000x768xf32, #tpu.memory_space<hbm>>) dst(%dma_wait3A_11 : memref<104x768xf32, #tpu.memory_space<vmem>>)
    %add3A_17 = arith.constant 0 : i32
    %add3A_18 = arith.addi %mul3A_2, %add3A_17 : i32
    "tpu.region"() ({
      %run_scoped3A = tpu.sem_alloc : memref<!tpu.dma_semaphore, #tpu.memory_space<semaphore_mem>>
      %dma_start3A_37 = arith.constant 0 : i32
      %dma_start3A_38 = arith.constant 0 : i32
      %dma_start3A_39 = tpu.memref_slice %arg6[%dma_start3A_37, %dma_start3A_38] : memref<104x768xf32, #tpu.memory_space<vmem>> -> memref<104x768xf32, #tpu.memory_space<vmem>>
      %dma_start3A_40 = arith.constant 0 : i32
      %dma_start3A_41 = tpu.memref_slice %arg4[%add3A_18, %dma_start3A_40] : memref<6400x768xf32, #tpu.memory_space<hbm>> -> memref<104x768xf32, #tpu.memory_space<hbm>>
      %dma_start3A_42 = arith.constant 0 : i32
      %dma_start3A_43 = tpu.memref_slice %arg4[%add3A_18, %dma_start3A_42] : memref<6400x768xf32, #tpu.memory_space<hbm>> -> memref<104x768xf32, #tpu.memory_space<hbm>>
      %dma_start3A_44 = arith.constant 0 : i32
      %dma_start3A_45 = arith.constant 0 : i32
      %dma_start3A_46 = tpu.memref_slice %arg6[%dma_start3A_44, %dma_start3A_45] : memref<104x768xf32, #tpu.memory_space<vmem>> -> memref<104x768xf32, #tpu.memory_space<vmem>>
      tpu.enqueue_dma source(%dma_start3A_46 : memref<104x768xf32, #tpu.memory_space<vmem>>) target(%dma_start3A_43 : memref<104x768xf32, #tpu.memory_space<hbm>>) target_semaphore(%run_scoped3A : memref<!tpu.dma_semaphore, #tpu.memory_space<semaphore_mem>>)
      %dma_wait3A_47 = arith.constant 0 : i32
      %dma_wait3A_48 = arith.constant 0 : i32
      %dma_wait3A_49 = tpu.memref_slice %arg6[%dma_wait3A_47, %dma_wait3A_48] : memref<104x768xf32, #tpu.memory_space<vmem>> -> memref<104x768xf32, #tpu.memory_space<vmem>>
      %dma_wait3A_50 = arith.constant 0 : i32
      %dma_wait3A_51 = tpu.memref_slice %arg4[%add3A_18, %dma_wait3A_50] : memref<6400x768xf32, #tpu.memory_space<hbm>> -> memref<104x768xf32, #tpu.memory_space<hbm>>
      %dma_wait3A_52 = arith.constant 0 : i32
      %dma_wait3A_53 = tpu.memref_slice %arg4[%add3A_18, %dma_wait3A_52] : memref<6400x768xf32, #tpu.memory_space<hbm>> -> memref<104x768xf32, #tpu.memory_space<hbm>>
      %dma_wait3A_54 = arith.constant 0 : i32
      %dma_wait3A_55 = arith.constant 0 : i32
      %dma_wait3A_56 = tpu.memref_slice %arg6[%dma_wait3A_54, %dma_wait3A_55] : memref<104x768xf32, #tpu.memory_space<vmem>> -> memref<104x768xf32, #tpu.memory_space<vmem>>
      tpu.wait_dma2 semaphore(%run_scoped3A : memref<!tpu.dma_semaphore, #tpu.memory_space<semaphore_mem>>) src(%dma_wait3A_56 : memref<104x768xf32, #tpu.memory_space<vmem>>) dst(%dma_wait3A_53 : memref<104x768xf32, #tpu.memory_space<hbm>>)
      tpu.yield
    }) : () -> ()
    %dma_start3A_19 = arith.constant 0 : i32
    %dma_start3A_20 = arith.constant 0 : i32
    %dma_start3A_21 = tpu.memref_slice %arg6[%dma_start3A_19, %dma_start3A_20] : memref<104x768xf32, #tpu.memory_space<vmem>> -> memref<96x768xf32, #tpu.memory_space<vmem>>
    %dma_start3A_22 = arith.constant 104 : i32
    %dma_start3A_23 = tpu.memref_slice %arg5[%dma_start3A_22] : memref<200xi32, #tpu.memory_space<vmem>> -> memref<96xi32, #tpu.memory_space<vmem>>
    %dma_start3A_24 = arith.constant 0 : i32
    %dma_start3A_25 = arith.constant 0 : i32
    %dma_start3A_26 = tpu.memref_slice %arg2[%dma_start3A_24, %dma_start3A_25] : memref<1000x768xf32, #tpu.memory_space<hbm>> -> memref<1000x768xf32, #tpu.memory_space<hbm>>
    tpu.enqueue_indirect_dma source(%dma_start3A_26 : memref<1000x768xf32, #tpu.memory_space<hbm>>) target(%dma_start3A_21 : memref<96x768xf32, #tpu.memory_space<vmem>>) offsets(%dma_start3A_23 : memref<96xi32, #tpu.memory_space<vmem>>) semaphore(%arg7 : memref<!tpu.dma_semaphore, #tpu.memory_space<semaphore_mem>>)
    %dma_wait3A_27 = arith.constant 0 : i32
    %dma_wait3A_28 = arith.constant 0 : i32
    %dma_wait3A_29 = tpu.memref_slice %arg6[%dma_wait3A_27, %dma_wait3A_28] : memref<104x768xf32, #tpu.memory_space<vmem>> -> memref<96x768xf32, #tpu.memory_space<vmem>>
    %dma_wait3A_30 = arith.constant 104 : i32
    %dma_wait3A_31 = tpu.memref_slice %arg5[%dma_wait3A_30] : memref<200xi32, #tpu.memory_space<vmem>> -> memref<96xi32, #tpu.memory_space<vmem>>
    %dma_wait3A_32 = arith.constant 0 : i32
    %dma_wait3A_33 = arith.constant 0 : i32
    %dma_wait3A_34 = tpu.memref_slice %arg2[%dma_wait3A_32, %dma_wait3A_33] : memref<1000x768xf32, #tpu.memory_space<hbm>> -> memref<1000x768xf32, #tpu.memory_space<hbm>>
    tpu.wait_indirect_dma semaphore(%arg7 : memref<!tpu.dma_semaphore, #tpu.memory_space<semaphore_mem>>) src(%dma_wait3A_34 : memref<1000x768xf32, #tpu.memory_space<hbm>>) dst(%dma_wait3A_29 : memref<96x768xf32, #tpu.memory_space<vmem>>)
    %add3A_35 = arith.constant 104 : i32
    %add3A_36 = arith.addi %mul3A_2, %add3A_35 : i32
    "tpu.region"() ({
      %run_scoped3A = tpu.sem_alloc : memref<!tpu.dma_semaphore, #tpu.memory_space<semaphore_mem>>
      %dma_start3A_37 = arith.constant 0 : i32
      %dma_start3A_38 = arith.constant 0 : i32
      %dma_start3A_39 = tpu.memref_slice %arg6[%dma_start3A_37, %dma_start3A_38] : memref<104x768xf32, #tpu.memory_space<vmem>> -> memref<96x768xf32, #tpu.memory_space<vmem>>
      %dma_start3A_40 = arith.constant 0 : i32
      %dma_start3A_41 = tpu.memref_slice %arg4[%add3A_36, %dma_start3A_40] : memref<6400x768xf32, #tpu.memory_space<hbm>> -> memref<96x768xf32, #tpu.memory_space<hbm>>
      %dma_start3A_42 = arith.constant 0 : i32
      %dma_start3A_43 = tpu.memref_slice %arg4[%add3A_36, %dma_start3A_42] : memref<6400x768xf32, #tpu.memory_space<hbm>> -> memref<96x768xf32, #tpu.memory_space<hbm>>
      %dma_start3A_44 = arith.constant 0 : i32
      %dma_start3A_45 = arith.constant 0 : i32
      %dma_start3A_46 = tpu.memref_slice %arg6[%dma_start3A_44, %dma_start3A_45] : memref<104x768xf32, #tpu.memory_space<vmem>> -> memref<96x768xf32, #tpu.memory_space<vmem>>
      tpu.enqueue_dma source(%dma_start3A_46 : memref<96x768xf32, #tpu.memory_space<vmem>>) target(%dma_start3A_43 : memref<96x768xf32, #tpu.memory_space<hbm>>) target_semaphore(%run_scoped3A : memref<!tpu.dma_semaphore, #tpu.memory_space<semaphore_mem>>)
      %dma_wait3A_47 = arith.constant 0 : i32
      %dma_wait3A_48 = arith.constant 0 : i32
      %dma_wait3A_49 = tpu.memref_slice %arg6[%dma_wait3A_47, %dma_wait3A_48] : memref<104x768xf32, #tpu.memory_space<vmem>> -> memref<96x768xf32, #tpu.memory_space<vmem>>
      %dma_wait3A_50 = arith.constant 0 : i32
      %dma_wait3A_51 = tpu.memref_slice %arg4[%add3A_36, %dma_wait3A_50] : memref<6400x768xf32, #tpu.memory_space<hbm>> -> memref<96x768xf32, #tpu.memory_space<hbm>>
      %dma_wait3A_52 = arith.constant 0 : i32
      %dma_wait3A_53 = tpu.memref_slice %arg4[%add3A_36, %dma_wait3A_52] : memref<6400x768xf32, #tpu.memory_space<hbm>> -> memref<96x768xf32, #tpu.memory_space<hbm>>
      %dma_wait3A_54 = arith.constant 0 : i32
      %dma_wait3A_55 = arith.constant 0 : i32
      %dma_wait3A_56 = tpu.memref_slice %arg6[%dma_wait3A_54, %dma_wait3A_55] : memref<104x768xf32, #tpu.memory_space<vmem>> -> memref<96x768xf32, #tpu.memory_space<vmem>>
      tpu.wait_dma2 semaphore(%run_scoped3A : memref<!tpu.dma_semaphore, #tpu.memory_space<semaphore_mem>>) src(%dma_wait3A_56 : memref<96x768xf32, #tpu.memory_space<vmem>>) dst(%dma_wait3A_53 : memref<96x768xf32, #tpu.memory_space<hbm>>)
      tpu.yield
    }) : () -> ()
    return
  }
}

module attributes {stable_mosaic.version = 14 : i64} {
  func.func @_tc_body(%arg0: i32, %arg1: memref<1x256x768xf32, #tpu.memory_space<vmem>>, %arg2: memref<1x200x2000xf32, #tpu.memory_space<vmem>>, %arg3: memref<1x200x768xf32, #tpu.memory_space<vmem>>, %arg4: memref<1x1x15xi32, #tpu.memory_space<vmem>>, %arg5: memref<1x1x15xi32, #tpu.memory_space<vmem>>, %arg6: memref<1x1x15xi32, #tpu.memory_space<vmem>>, %arg7: memref<1x1x15xi32, #tpu.memory_space<vmem>>, %arg8: memref<1x1x15xi32, #tpu.memory_space<vmem>>, %arg9: memref<1x15x2000xf32, #tpu.memory_space<vmem>>, %arg10: memref<1x15x768xf32, #tpu.memory_space<vmem>>, %arg11: memref<1x128x768xf32, #tpu.memory_space<vmem>>, %arg12: memref<1x64x768xf32, #tpu.memory_space<vmem>>, %arg13: memref<1x1x3xi32, #tpu.memory_space<vmem>>, %arg14: memref<1x1x2000xf32, #tpu.memory_space<vmem>>, %arg15: memref<1x1x2xi32, #tpu.memory_space<vmem>>, %arg16: memref<1x6x2000xf32, #tpu.memory_space<vmem>>, %arg17: memref<1x32x768xf32, #tpu.memory_space<vmem>>, %arg18: memref<200x768xf32, #tpu.memory_space<vmem>>, %arg19: memref<200x768xf32, #tpu.memory_space<vmem>>, %arg20: memref<800x768xf32, #tpu.memory_space<vmem>>, %arg21: memref<100x768xf32, #tpu.memory_space<vmem>>, %arg22: memref<16x768xf32, #tpu.memory_space<vmem>>, %arg23: memref<64x768xf32, #tpu.memory_space<vmem>>, %arg24: memref<32x768xf32, #tpu.memory_space<vmem>>, %arg25: memref<2000x768xf32, #tpu.memory_space<vmem>>, %arg26: memref<1x768xf32, #tpu.memory_space<vmem>>, %arg27: memref<2000x768xf32, #tpu.memory_space<vmem>>, %arg28: memref<1x768xf32, #tpu.memory_space<vmem>>, %arg29: memref<2000x768xf32, #tpu.memory_space<vmem>>, %arg30: memref<1x768xf32, #tpu.memory_space<vmem>>, %arg31: memref<2000x768xf32, #tpu.memory_space<vmem>>, %arg32: memref<1x768xf32, #tpu.memory_space<vmem>>, %arg33: memref<1x997x768xf32, #tpu.memory_space<vmem>>) attributes {dimension_semantics = [#tpu.dimension_semantics<arbitrary>], iteration_bounds = array<i64: 32>, scalar_prefetch = 0 : i64, scratch_operands = 0 : i64, tpu.core_type = #tpu.core_type<tc>, window_params = [{transform_indices = @transform_0, window_bounds = array<i64: 1, 256, 768>}, {transform_indices = @transform_1, window_bounds = array<i64: 1, 200, 2000>}, {transform_indices = @transform_2, window_bounds = array<i64: 1, 200, 768>}, {transform_indices = @transform_3, window_bounds = array<i64: 1, 1, 15>}, {transform_indices = @transform_4, window_bounds = array<i64: 1, 1, 15>}, {transform_indices = @transform_5, window_bounds = array<i64: 1, 1, 15>}, {transform_indices = @transform_6, window_bounds = array<i64: 1, 1, 15>}, {transform_indices = @transform_7, window_bounds = array<i64: 1, 1, 15>}, {transform_indices = @transform_8, window_bounds = array<i64: 1, 15, 2000>}, {transform_indices = @transform_9, window_bounds = array<i64: 1, 15, 768>}, {transform_indices = @transform_10, window_bounds = array<i64: 1, 128, 768>}, {transform_indices = @transform_11, window_bounds = array<i64: 1, 64, 768>}, {transform_indices = @transform_12, window_bounds = array<i64: 1, 1, 3>}, {transform_indices = @transform_13, window_bounds = array<i64: 1, 1, 2000>}, {transform_indices = @transform_14, window_bounds = array<i64: 1, 1, 2>}, {transform_indices = @transform_15, window_bounds = array<i64: 1, 6, 2000>}, {transform_indices = @transform_16, window_bounds = array<i64: 1, 32, 768>}, {pipeline_mode = #tpu.pipeline_mode<synchronous>, transform_indices = @transform_17, window_bounds = array<i64: 200, 768>}, {pipeline_mode = #tpu.pipeline_mode<synchronous>, transform_indices = @transform_18, window_bounds = array<i64: 200, 768>}, {pipeline_mode = #tpu.pipeline_mode<synchronous>, transform_indices = @transform_19, window_bounds = array<i64: 800, 768>}, {pipeline_mode = #tpu.pipeline_mode<synchronous>, transform_indices = @transform_20, window_bounds = array<i64: 100, 768>}, {pipeline_mode = #tpu.pipeline_mode<synchronous>, transform_indices = @transform_21, window_bounds = array<i64: 16, 768>}, {pipeline_mode = #tpu.pipeline_mode<synchronous>, transform_indices = @transform_22, window_bounds = array<i64: 64, 768>}, {pipeline_mode = #tpu.pipeline_mode<synchronous>, transform_indices = @transform_23, window_bounds = array<i64: 32, 768>}, {pipeline_mode = #tpu.pipeline_mode<synchronous>, transform_indices = @transform_24, window_bounds = array<i64: 2000, 768>}, {pipeline_mode = #tpu.pipeline_mode<synchronous>, transform_indices = @transform_25, window_bounds = array<i64: 1, 768>}, {pipeline_mode = #tpu.pipeline_mode<synchronous>, transform_indices = @transform_26, window_bounds = array<i64: 2000, 768>}, {pipeline_mode = #tpu.pipeline_mode<synchronous>, transform_indices = @transform_27, window_bounds = array<i64: 1, 768>}, {pipeline_mode = #tpu.pipeline_mode<synchronous>, transform_indices = @transform_28, window_bounds = array<i64: 2000, 768>}, {pipeline_mode = #tpu.pipeline_mode<synchronous>, transform_indices = @transform_29, window_bounds = array<i64: 1, 768>}, {pipeline_mode = #tpu.pipeline_mode<synchronous>, transform_indices = @transform_30, window_bounds = array<i64: 2000, 768>}, {pipeline_mode = #tpu.pipeline_mode<synchronous>, transform_indices = @transform_31, window_bounds = array<i64: 1, 768>}, {transform_indices = @transform_32, window_bounds = array<i64: 1, 997, 768>}]} {
    %get3A = arith.constant 0 : index
    %get3A_0 = arith.constant 0 : index
    %get3A_1 = arith.constant 0 : index
    %get3A_2 = vector.load %arg1[%get3A, %get3A_0, %get3A_1] : memref<1x256x768xf32, #tpu.memory_space<vmem>>, vector<1x256x768xf32>
    %get3A_3 = vector.shape_cast %get3A_2 : vector<1x256x768xf32> to vector<256x768xf32>
    %swap3A = arith.constant 0 : index
    %swap3A_4 = arith.constant 0 : index
    %swap3A_5 = arith.constant 0 : index
    %swap3A_6 = vector.load %arg33[%swap3A, %swap3A_4, %swap3A_5] : memref<1x997x768xf32, #tpu.memory_space<vmem>>, vector<1x256x768xf32>
    %swap3A_7 = vector.shape_cast %swap3A_6 : vector<1x256x768xf32> to vector<256x768xf32>
    %swap3A_8 = vector.shape_cast %get3A_3 : vector<256x768xf32> to vector<1x256x768xf32>
    tpu.vector_store %arg33[%swap3A, %swap3A_4, %swap3A_5], %swap3A_8 {strides = array<i32>} : memref<1x997x768xf32, #tpu.memory_space<vmem>>, vector<1x256x768xf32>,
    %get3A_9 = arith.constant 0 : index
    %get3A_10 = arith.constant 0 : index
    %get3A_11 = arith.constant 0 : index
    %get3A_12 = vector.load %arg2[%get3A_9, %get3A_10, %get3A_11] : memref<1x200x2000xf32, #tpu.memory_space<vmem>>, vector<1x200x2000xf32>
    %get3A_13 = vector.shape_cast %get3A_12 : vector<1x200x2000xf32> to vector<200x2000xf32>
    %get3A_14 = arith.constant 0 : index
    %get3A_15 = arith.constant 0 : index
    %get3A_16 = vector.load %arg25[%get3A_14, %get3A_15] : memref<2000x768xf32, #tpu.memory_space<vmem>>, vector<2000x768xf32>
    %dot_general3A = arith.constant dense<0.000000e+00> : vector<200x768xf32>
    %dot_general3A_17 = tpu.matmul %get3A_13, %get3A_16, %dot_general3A {dimension_numbers = #tpu.dot_dimension_numbers<[1], [0], [0], [1], [0, 0, 1, 1], [], []>, transpose_lhs_hint = false} : vector<200x2000xf32>, vector<2000x768xf32>, vector<200x768xf32> -> vector<200x768xf32>
    %get3A_18 = arith.constant 0 : index
    %get3A_19 = arith.constant 0 : index
    %get3A_20 = vector.load %arg26[%get3A_18, %get3A_19] : memref<1x768xf32, #tpu.memory_space<vmem>>, vector<1x768xf32>
    %add3A = vector.broadcast %get3A_20 : vector<1x768xf32> to vector<200x768xf32>
    %add3A_21 = arith.addf %dot_general3A_17, %add3A : vector<200x768xf32>
    %max3A = arith.constant 0.000000e+00 : f32
    %max3A_22 = vector.broadcast %max3A : f32 to vector<200x768xf32>
    %max3A_23 = arith.maximumf %add3A_21, %max3A_22 : vector<200x768xf32>
    %get3A_24 = arith.constant 0 : index
    %get3A_25 = arith.constant 0 : index
    %get3A_26 = arith.constant 0 : index
    %get3A_27 = vector.load %arg3[%get3A_24, %get3A_25, %get3A_26] : memref<1x200x768xf32, #tpu.memory_space<vmem>>, vector<1x200x768xf32>
    %get3A_28 = vector.shape_cast %get3A_27 : vector<1x200x768xf32> to vector<200x768xf32>
    %concatenate3A = tpu.concatenate %max3A_23, %get3A_28 in 1 : vector<200x768xf32>, vector<200x768xf32> -> vector<200x1536xf32>
    %reshape3A = vector.shape_cast %concatenate3A : vector<200x1536xf32> to vector<400x768xf32>
    %swap3A_29 = arith.constant 0 : index
    %swap3A_30 = arith.constant 256 : index
    %swap3A_31 = arith.constant 0 : index
    %swap3A_32 = vector.load %arg33[%swap3A_29, %swap3A_30, %swap3A_31] : memref<1x997x768xf32, #tpu.memory_space<vmem>>, vector<1x400x768xf32>
    %swap3A_33 = vector.shape_cast %swap3A_32 : vector<1x400x768xf32> to vector<400x768xf32>
    %swap3A_34 = vector.shape_cast %reshape3A : vector<400x768xf32> to vector<1x400x768xf32>
    tpu.vector_store %arg33[%swap3A_29, %swap3A_30, %swap3A_31], %swap3A_34 {strides = array<i32>} : memref<1x997x768xf32, #tpu.memory_space<vmem>>, vector<1x400x768xf32>,
    %get3A_35 = arith.constant 0 : index
    %get3A_36 = arith.constant 0 : index
    %get3A_37 = vector.load %arg18[%get3A_35, %get3A_36] : memref<200x768xf32, #tpu.memory_space<vmem>>, vector<200x768xf32>
    %get3A_38 = arith.constant 0 : index
    %get3A_39 = arith.constant 0 : index
    %get3A_40 = arith.constant 0 : index
    %get3A_41 = vector.load %arg4[%get3A_38, %get3A_39, %get3A_40] : memref<1x1x15xi32, #tpu.memory_space<vmem>>, vector<1x1x15xi32>
    %get3A_42 = vector.shape_cast %get3A_41 : vector<1x1x15xi32> to vector<15xi32>
    %iota3A = tpu.iota {dimensions = array<i32: 1>} : vector<15x200xi32>
    %broadcast_in_dim3A = vector.shape_cast %get3A_42 : vector<15xi32> to vector<15x1xi32>
    %eq3A = vector.broadcast %broadcast_in_dim3A : vector<15x1xi32> to vector<15x200xi32>
    %eq3A_43 = arith.cmpi eq, %iota3A, %eq3A : vector<15x200xi32>
    %convert_element_type3A = arith.extui %eq3A_43 : vector<15x200xi1> to vector<15x200xi32>
    %convert_element_type3A_44 = arith.sitofp %convert_element_type3A : vector<15x200xi32> to vector<15x200xf32>
    %dot_general3A_45 = arith.constant dense<0.000000e+00> : vector<15x768xf32>
    %dot_general3A_46 = tpu.matmul %convert_element_type3A_44, %get3A_37, %dot_general3A_45 {dimension_numbers = #tpu.dot_dimension_numbers<[1], [0], [0], [1], [0, 0, 1, 1], [], []>, transpose_lhs_hint = false} : vector<15x200xf32>, vector<200x768xf32>, vector<15x768xf32> -> vector<15x768xf32>
    %get3A_47 = arith.constant 0 : index
    %get3A_48 = arith.constant 0 : index
    %get3A_49 = vector.load %arg19[%get3A_47, %get3A_48] : memref<200x768xf32, #tpu.memory_space<vmem>>, vector<200x768xf32>
    %get3A_50 = arith.constant 0 : index
    %get3A_51 = arith.constant 0 : index
    %get3A_52 = arith.constant 0 : index
    %get3A_53 = vector.load %arg5[%get3A_50, %get3A_51, %get3A_52] : memref<1x1x15xi32, #tpu.memory_space<vmem>>, vector<1x1x15xi32>
    %get3A_54 = vector.shape_cast %get3A_53 : vector<1x1x15xi32> to vector<15xi32>
    %iota3A_55 = tpu.iota {dimensions = array<i32: 1>} : vector<15x200xi32>
    %broadcast_in_dim3A_56 = vector.shape_cast %get3A_54 : vector<15xi32> to vector<15x1xi32>
    %eq3A_57 = vector.broadcast %broadcast_in_dim3A_56 : vector<15x1xi32> to vector<15x200xi32>
    %eq3A_58 = arith.cmpi eq, %iota3A_55, %eq3A_57 : vector<15x200xi32>
    %convert_element_type3A_59 = arith.extui %eq3A_58 : vector<15x200xi1> to vector<15x200xi32>
    %convert_element_type3A_60 = arith.sitofp %convert_element_type3A_59 : vector<15x200xi32> to vector<15x200xf32>
    %dot_general3A_61 = arith.constant dense<0.000000e+00> : vector<15x768xf32>
    %dot_general3A_62 = tpu.matmul %convert_element_type3A_60, %get3A_49, %dot_general3A_61 {dimension_numbers = #tpu.dot_dimension_numbers<[1], [0], [0], [1], [0, 0, 1, 1], [], []>, transpose_lhs_hint = false} : vector<15x200xf32>, vector<200x768xf32>, vector<15x768xf32> -> vector<15x768xf32>
    %get3A_63 = arith.constant 0 : index
    %get3A_64 = arith.constant 0 : index
    %get3A_65 = vector.load %arg20[%get3A_63, %get3A_64] : memref<800x768xf32, #tpu.memory_space<vmem>>, vector<800x768xf32>
    %get3A_66 = arith.constant 0 : index
    %get3A_67 = arith.constant 0 : index
    %get3A_68 = arith.constant 0 : index
    %get3A_69 = vector.load %arg6[%get3A_66, %get3A_67, %get3A_68] : memref<1x1x15xi32, #tpu.memory_space<vmem>>, vector<1x1x15xi32>
    %get3A_70 = vector.shape_cast %get3A_69 : vector<1x1x15xi32> to vector<15xi32>
    %iota3A_71 = tpu.iota {dimensions = array<i32: 1>} : vector<15x800xi32>
    %broadcast_in_dim3A_72 = vector.shape_cast %get3A_70 : vector<15xi32> to vector<15x1xi32>
    %eq3A_73 = vector.broadcast %broadcast_in_dim3A_72 : vector<15x1xi32> to vector<15x800xi32>
    %eq3A_74 = arith.cmpi eq, %iota3A_71, %eq3A_73 : vector<15x800xi32>
    %convert_element_type3A_75 = arith.extui %eq3A_74 : vector<15x800xi1> to vector<15x800xi32>
    %convert_element_type3A_76 = arith.sitofp %convert_element_type3A_75 : vector<15x800xi32> to vector<15x800xf32>
    %dot_general3A_77 = arith.constant dense<0.000000e+00> : vector<15x768xf32>
    %dot_general3A_78 = tpu.matmul %convert_element_type3A_76, %get3A_65, %dot_general3A_77 {dimension_numbers = #tpu.dot_dimension_numbers<[1], [0], [0], [1], [0, 0, 1, 1], [], []>, transpose_lhs_hint = false} : vector<15x800xf32>, vector<800x768xf32>, vector<15x768xf32> -> vector<15x768xf32>
    %get3A_79 = arith.constant 0 : index
    %get3A_80 = arith.constant 0 : index
    %get3A_81 = vector.load %arg21[%get3A_79, %get3A_80] : memref<100x768xf32, #tpu.memory_space<vmem>>, vector<100x768xf32>
    %get3A_82 = arith.constant 0 : index
    %get3A_83 = arith.constant 0 : index
    %get3A_84 = arith.constant 0 : index
    %get3A_85 = vector.load %arg7[%get3A_82, %get3A_83, %get3A_84] : memref<1x1x15xi32, #tpu.memory_space<vmem>>, vector<1x1x15xi32>
    %get3A_86 = vector.shape_cast %get3A_85 : vector<1x1x15xi32> to vector<15xi32>
    %iota3A_87 = tpu.iota {dimensions = array<i32: 1>} : vector<15x100xi32>
    %broadcast_in_dim3A_88 = vector.shape_cast %get3A_86 : vector<15xi32> to vector<15x1xi32>
    %eq3A_89 = vector.broadcast %broadcast_in_dim3A_88 : vector<15x1xi32> to vector<15x100xi32>
    %eq3A_90 = arith.cmpi eq, %iota3A_87, %eq3A_89 : vector<15x100xi32>
    %convert_element_type3A_91 = arith.extui %eq3A_90 : vector<15x100xi1> to vector<15x100xi32>
    %convert_element_type3A_92 = arith.sitofp %convert_element_type3A_91 : vector<15x100xi32> to vector<15x100xf32>
    %dot_general3A_93 = arith.constant dense<0.000000e+00> : vector<15x768xf32>
    %dot_general3A_94 = tpu.matmul %convert_element_type3A_92, %get3A_81, %dot_general3A_93 {dimension_numbers = #tpu.dot_dimension_numbers<[1], [0], [0], [1], [0, 0, 1, 1], [], []>, transpose_lhs_hint = false} : vector<15x100xf32>, vector<100x768xf32>, vector<15x768xf32> -> vector<15x768xf32>
    %get3A_95 = arith.constant 0 : index
    %get3A_96 = arith.constant 0 : index
    %get3A_97 = vector.load %arg22[%get3A_95, %get3A_96] : memref<16x768xf32, #tpu.memory_space<vmem>>, vector<16x768xf32>
    %get3A_98 = arith.constant 0 : index
    %get3A_99 = arith.constant 0 : index
    %get3A_100 = arith.constant 0 : index
    %get3A_101 = vector.load %arg8[%get3A_98, %get3A_99, %get3A_100] : memref<1x1x15xi32, #tpu.memory_space<vmem>>, vector<1x1x15xi32>
    %get3A_102 = vector.shape_cast %get3A_101 : vector<1x1x15xi32> to vector<15xi32>
    %iota3A_103 = tpu.iota {dimensions = array<i32: 1>} : vector<15x16xi32>
    %broadcast_in_dim3A_104 = vector.shape_cast %get3A_102 : vector<15xi32> to vector<15x1xi32>
    %eq3A_105 = vector.broadcast %broadcast_in_dim3A_104 : vector<15x1xi32> to vector<15x16xi32>
    %eq3A_106 = arith.cmpi eq, %iota3A_103, %eq3A_105 : vector<15x16xi32>
    %convert_element_type3A_107 = arith.extui %eq3A_106 : vector<15x16xi1> to vector<15x16xi32>
    %convert_element_type3A_108 = arith.sitofp %convert_element_type3A_107 : vector<15x16xi32> to vector<15x16xf32>
    %dot_general3A_109 = arith.constant dense<0.000000e+00> : vector<15x768xf32>
    %dot_general3A_110 = tpu.matmul %convert_element_type3A_108, %get3A_97, %dot_general3A_109 {dimension_numbers = #tpu.dot_dimension_numbers<[1], [0], [0], [1], [0, 0, 1, 1], [], []>, transpose_lhs_hint = false} : vector<15x16xf32>, vector<16x768xf32>, vector<15x768xf32> -> vector<15x768xf32>
    %get3A_111 = arith.constant 0 : index
    %get3A_112 = arith.constant 0 : index
    %get3A_113 = arith.constant 0 : index
    %get3A_114 = vector.load %arg9[%get3A_111, %get3A_112, %get3A_113] : memref<1x15x2000xf32, #tpu.memory_space<vmem>>, vector<1x15x2000xf32>
    %get3A_115 = vector.shape_cast %get3A_114 : vector<1x15x2000xf32> to vector<15x2000xf32>
    %get3A_116 = arith.constant 0 : index
    %get3A_117 = arith.constant 0 : index
    %get3A_118 = vector.load %arg27[%get3A_116, %get3A_117] : memref<2000x768xf32, #tpu.memory_space<vmem>>, vector<2000x768xf32>
    %dot_general3A_119 = arith.constant dense<0.000000e+00> : vector<15x768xf32>
    %dot_general3A_120 = tpu.matmul %get3A_115, %get3A_118, %dot_general3A_119 {dimension_numbers = #tpu.dot_dimension_numbers<[1], [0], [0], [1], [0, 0, 1, 1], [], []>, transpose_lhs_hint = false} : vector<15x2000xf32>, vector<2000x768xf32>, vector<15x768xf32> -> vector<15x768xf32>
    %get3A_121 = arith.constant 0 : index
    %get3A_122 = arith.constant 0 : index
    %get3A_123 = vector.load %arg28[%get3A_121, %get3A_122] : memref<1x768xf32, #tpu.memory_space<vmem>>, vector<1x768xf32>
    %add3A_124 = vector.broadcast %get3A_123 : vector<1x768xf32> to vector<15x768xf32>
    %add3A_125 = arith.addf %dot_general3A_120, %add3A_124 : vector<15x768xf32>
    %max3A_126 = arith.constant 0.000000e+00 : f32
    %max3A_127 = vector.broadcast %max3A_126 : f32 to vector<15x768xf32>
    %max3A_128 = arith.maximumf %add3A_125, %max3A_127 : vector<15x768xf32>
    %get3A_129 = arith.constant 0 : index
    %get3A_130 = arith.constant 0 : index
    %get3A_131 = arith.constant 0 : index
    %get3A_132 = vector.load %arg10[%get3A_129, %get3A_130, %get3A_131] : memref<1x15x768xf32, #tpu.memory_space<vmem>>, vector<1x15x768xf32>
    %get3A_133 = vector.shape_cast %get3A_132 : vector<1x15x768xf32> to vector<15x768xf32>
    %concatenate3A_134 = tpu.concatenate %dot_general3A_46, %dot_general3A_62, %dot_general3A_78, %dot_general3A_94, %dot_general3A_110, %max3A_128, %get3A_133 in 1 : vector<15x768xf32>, vector<15x768xf32>, vector<15x768xf32>, vector<15x768xf32>, vector<15x768xf32>, vector<15x768xf32>, vector<15x768xf32> -> vector<15x5376xf32>
    %reshape3A_135 = vector.shape_cast %concatenate3A_134 : vector<15x5376xf32> to vector<105x768xf32>
    %swap3A_136 = arith.constant 0 : index
    %swap3A_137 = arith.constant 656 : index
    %swap3A_138 = arith.constant 0 : index
    %swap3A_139 = vector.load %arg33[%swap3A_136, %swap3A_137, %swap3A_138] : memref<1x997x768xf32, #tpu.memory_space<vmem>>, vector<1x105x768xf32>
    %swap3A_140 = vector.shape_cast %swap3A_139 : vector<1x105x768xf32> to vector<105x768xf32>
    %swap3A_141 = vector.shape_cast %reshape3A_135 : vector<105x768xf32> to vector<1x105x768xf32>
    tpu.vector_store %arg33[%swap3A_136, %swap3A_137, %swap3A_138], %swap3A_141 {strides = array<i32>} : memref<1x997x768xf32, #tpu.memory_space<vmem>>, vector<1x105x768xf32>,
    %get3A_142 = arith.constant 0 : index
    %get3A_143 = arith.constant 0 : index
    %get3A_144 = arith.constant 0 : index
    %get3A_145 = vector.load %arg11[%get3A_142, %get3A_143, %get3A_144] : memref<1x128x768xf32, #tpu.memory_space<vmem>>, vector<1x128x768xf32>
    %get3A_146 = vector.shape_cast %get3A_145 : vector<1x128x768xf32> to vector<128x768xf32>
    %swap3A_147 = arith.constant 0 : index
    %swap3A_148 = arith.constant 761 : index
    %swap3A_149 = arith.constant 0 : index
    %swap3A_150 = vector.load %arg33[%swap3A_147, %swap3A_148, %swap3A_149] : memref<1x997x768xf32, #tpu.memory_space<vmem>>, vector<1x128x768xf32>
    %swap3A_151 = vector.shape_cast %swap3A_150 : vector<1x128x768xf32> to vector<128x768xf32>
    %swap3A_152 = vector.shape_cast %get3A_146 : vector<128x768xf32> to vector<1x128x768xf32>
    tpu.vector_store %arg33[%swap3A_147, %swap3A_148, %swap3A_149], %swap3A_152 {strides = array<i32>} : memref<1x997x768xf32, #tpu.memory_space<vmem>>, vector<1x128x768xf32>,
    %get3A_153 = arith.constant 0 : index
    %get3A_154 = arith.constant 0 : index
    %get3A_155 = arith.constant 0 : index
    %get3A_156 = vector.load %arg12[%get3A_153, %get3A_154, %get3A_155] : memref<1x64x768xf32, #tpu.memory_space<vmem>>, vector<1x64x768xf32>
    %get3A_157 = vector.shape_cast %get3A_156 : vector<1x64x768xf32> to vector<64x768xf32>
    %swap3A_158 = arith.constant 0 : index
    %swap3A_159 = arith.constant 889 : index
    %swap3A_160 = arith.constant 0 : index
    %swap3A_161 = vector.load %arg33[%swap3A_158, %swap3A_159, %swap3A_160] : memref<1x997x768xf32, #tpu.memory_space<vmem>>, vector<1x64x768xf32>
    %swap3A_162 = vector.shape_cast %swap3A_161 : vector<1x64x768xf32> to vector<64x768xf32>
    %swap3A_163 = vector.shape_cast %get3A_157 : vector<64x768xf32> to vector<1x64x768xf32>
    tpu.vector_store %arg33[%swap3A_158, %swap3A_159, %swap3A_160], %swap3A_163 {strides = array<i32>} : memref<1x997x768xf32, #tpu.memory_space<vmem>>, vector<1x64x768xf32>,
    %get3A_164 = arith.constant 0 : index
    %get3A_165 = arith.constant 0 : index
    %get3A_166 = vector.load %arg23[%get3A_164, %get3A_165] : memref<64x768xf32, #tpu.memory_space<vmem>>, vector<64x768xf32>
    %get3A_167 = arith.constant 0 : index
    %get3A_168 = arith.constant 0 : index
    %get3A_169 = arith.constant 0 : index
    %get3A_170 = vector.load %arg13[%get3A_167, %get3A_168, %get3A_169] : memref<1x1x3xi32, #tpu.memory_space<vmem>>, vector<1x1x3xi32>
    %get3A_171 = vector.shape_cast %get3A_170 : vector<1x1x3xi32> to vector<3xi32>
    %iota3A_172 = tpu.iota {dimensions = array<i32: 1>} : vector<3x64xi32>
    %broadcast_in_dim3A_173 = vector.shape_cast %get3A_171 : vector<3xi32> to vector<3x1xi32>
    %eq3A_174 = vector.broadcast %broadcast_in_dim3A_173 : vector<3x1xi32> to vector<3x64xi32>
    %eq3A_175 = arith.cmpi eq, %iota3A_172, %eq3A_174 : vector<3x64xi32>
    %convert_element_type3A_176 = arith.extui %eq3A_175 : vector<3x64xi1> to vector<3x64xi32>
    %convert_element_type3A_177 = arith.sitofp %convert_element_type3A_176 : vector<3x64xi32> to vector<3x64xf32>
    %dot_general3A_178 = arith.constant dense<0.000000e+00> : vector<3x768xf32>
    %dot_general3A_179 = tpu.matmul %convert_element_type3A_177, %get3A_166, %dot_general3A_178 {dimension_numbers = #tpu.dot_dimension_numbers<[1], [0], [0], [1], [0, 0, 1, 1], [], []>, transpose_lhs_hint = false} : vector<3x64xf32>, vector<64x768xf32>, vector<3x768xf32> -> vector<3x768xf32>
    %get3A_180 = arith.constant 0 : index
    %get3A_181 = arith.constant 0 : index
    %get3A_182 = arith.constant 0 : index
    %get3A_183 = vector.load %arg14[%get3A_180, %get3A_181, %get3A_182] : memref<1x1x2000xf32, #tpu.memory_space<vmem>>, vector<1x1x2000xf32>
    %get3A_184 = vector.shape_cast %get3A_183 : vector<1x1x2000xf32> to vector<1x2000xf32>
    %get3A_185 = arith.constant 0 : index
    %get3A_186 = arith.constant 0 : index
    %get3A_187 = vector.load %arg29[%get3A_185, %get3A_186] : memref<2000x768xf32, #tpu.memory_space<vmem>>, vector<2000x768xf32>
    %dot_general3A_188 = arith.constant dense<0.000000e+00> : vector<1x768xf32>
    %dot_general3A_189 = tpu.matmul %get3A_184, %get3A_187, %dot_general3A_188 {dimension_numbers = #tpu.dot_dimension_numbers<[1], [0], [0], [1], [0, 0, 1, 1], [], []>, transpose_lhs_hint = false} : vector<1x2000xf32>, vector<2000x768xf32>, vector<1x768xf32> -> vector<1x768xf32>
    %get3A_190 = arith.constant 0 : index
    %get3A_191 = arith.constant 0 : index
    %get3A_192 = vector.load %arg30[%get3A_190, %get3A_191] : memref<1x768xf32, #tpu.memory_space<vmem>>, vector<1x768xf32>
    %add3A_193 = arith.addf %dot_general3A_189, %get3A_192 : vector<1x768xf32>
    %max3A_194 = arith.constant 0.000000e+00 : f32
    %max3A_195 = vector.broadcast %max3A_194 : f32 to vector<1x768xf32>
    %max3A_196 = arith.maximumf %add3A_193, %max3A_195 : vector<1x768xf32>
    %swap3A_197 = arith.constant 0 : index
    %swap3A_198 = arith.constant 953 : index
    %swap3A_199 = arith.constant 0 : index
    %swap3A_200 = vector.load %arg33[%swap3A_197, %swap3A_198, %swap3A_199] : memref<1x997x768xf32, #tpu.memory_space<vmem>>, vector<1x3x768xf32>
    %swap3A_201 = vector.shape_cast %swap3A_200 : vector<1x3x768xf32> to vector<3x768xf32>
    %swap3A_202 = vector.shape_cast %dot_general3A_179 : vector<3x768xf32> to vector<1x3x768xf32>
    tpu.vector_store %arg33[%swap3A_197, %swap3A_198, %swap3A_199], %swap3A_202 {strides = array<i32>} : memref<1x997x768xf32, #tpu.memory_space<vmem>>, vector<1x3x768xf32>,
    %swap3A_203 = arith.constant 0 : index
    %swap3A_204 = arith.constant 956 : index
    %swap3A_205 = arith.constant 0 : index
    %swap3A_206 = vector.load %arg33[%swap3A_203, %swap3A_204, %swap3A_205] : memref<1x997x768xf32, #tpu.memory_space<vmem>>, vector<1x1x768xf32>
    %swap3A_207 = vector.shape_cast %swap3A_206 : vector<1x1x768xf32> to vector<1x768xf32>
    %swap3A_208 = vector.shape_cast %max3A_196 : vector<1x768xf32> to vector<1x1x768xf32>
    tpu.vector_store %arg33[%swap3A_203, %swap3A_204, %swap3A_205], %swap3A_208 {strides = array<i32>} : memref<1x997x768xf32, #tpu.memory_space<vmem>>, vector<1x1x768xf32>,
    %get3A_209 = arith.constant 0 : index
    %get3A_210 = arith.constant 0 : index
    %get3A_211 = arith.constant 0 : index
    %get3A_212 = vector.load %arg16[%get3A_209, %get3A_210, %get3A_211] : memref<1x6x2000xf32, #tpu.memory_space<vmem>>, vector<1x6x2000xf32>
    %get3A_213 = vector.shape_cast %get3A_212 : vector<1x6x2000xf32> to vector<6x2000xf32>
    %get3A_214 = arith.constant 0 : index
    %get3A_215 = arith.constant 0 : index
    %get3A_216 = vector.load %arg31[%get3A_214, %get3A_215] : memref<2000x768xf32, #tpu.memory_space<vmem>>, vector<2000x768xf32>
    %dot_general3A_217 = arith.constant dense<0.000000e+00> : vector<6x768xf32>
    %dot_general3A_218 = tpu.matmul %get3A_213, %get3A_216, %dot_general3A_217 {dimension_numbers = #tpu.dot_dimension_numbers<[1], [0], [0], [1], [0, 0, 1, 1], [], []>, transpose_lhs_hint = false} : vector<6x2000xf32>, vector<2000x768xf32>, vector<6x768xf32> -> vector<6x768xf32>
    %get3A_219 = arith.constant 0 : index
    %get3A_220 = arith.constant 0 : index
    %get3A_221 = vector.load %arg32[%get3A_219, %get3A_220] : memref<1x768xf32, #tpu.memory_space<vmem>>, vector<1x768xf32>
    %add3A_222 = vector.broadcast %get3A_221 : vector<1x768xf32> to vector<6x768xf32>
    %add3A_223 = arith.addf %dot_general3A_218, %add3A_222 : vector<6x768xf32>
    %max3A_224 = arith.constant 0.000000e+00 : f32
    %max3A_225 = vector.broadcast %max3A_224 : f32 to vector<6x768xf32>
    %max3A_226 = arith.maximumf %add3A_223, %max3A_225 : vector<6x768xf32>
    %get3A_227 = arith.constant 0 : index
    %get3A_228 = arith.constant 0 : index
    %get3A_229 = vector.load %arg24[%get3A_227, %get3A_228] : memref<32x768xf32, #tpu.memory_space<vmem>>, vector<32x768xf32>
    %get3A_230 = arith.constant 0 : index
    %get3A_231 = arith.constant 0 : index
    %get3A_232 = arith.constant 0 : index
    %get3A_233 = vector.load %arg15[%get3A_230, %get3A_231, %get3A_232] : memref<1x1x2xi32, #tpu.memory_space<vmem>>, vector<1x1x2xi32>
    %get3A_234 = vector.shape_cast %get3A_233 : vector<1x1x2xi32> to vector<2xi32>
    %iota3A_235 = tpu.iota {dimensions = array<i32: 1>} : vector<2x32xi32>
    %broadcast_in_dim3A_236 = vector.shape_cast %get3A_234 : vector<2xi32> to vector<2x1xi32>
    %eq3A_237 = vector.broadcast %broadcast_in_dim3A_236 : vector<2x1xi32> to vector<2x32xi32>
    %eq3A_238 = arith.cmpi eq, %iota3A_235, %eq3A_237 : vector<2x32xi32>
    %convert_element_type3A_239 = arith.extui %eq3A_238 : vector<2x32xi1> to vector<2x32xi32>
    %convert_element_type3A_240 = arith.sitofp %convert_element_type3A_239 : vector<2x32xi32> to vector<2x32xf32>
    %dot_general3A_241 = arith.constant dense<0.000000e+00> : vector<2x768xf32>
    %dot_general3A_242 = tpu.matmul %convert_element_type3A_240, %get3A_229, %dot_general3A_241 {dimension_numbers = #tpu.dot_dimension_numbers<[1], [0], [0], [1], [0, 0, 1, 1], [], []>, transpose_lhs_hint = false} : vector<2x32xf32>, vector<32x768xf32>, vector<2x768xf32> -> vector<2x768xf32>
    %swap3A_243 = arith.constant 0 : index
    %swap3A_244 = arith.constant 957 : index
    %swap3A_245 = arith.constant 0 : index
    %swap3A_246 = vector.load %arg33[%swap3A_243, %swap3A_244, %swap3A_245] : memref<1x997x768xf32, #tpu.memory_space<vmem>>, vector<1x6x768xf32>
    %swap3A_247 = vector.shape_cast %swap3A_246 : vector<1x6x768xf32> to vector<6x768xf32>
    %swap3A_248 = vector.shape_cast %max3A_226 : vector<6x768xf32> to vector<1x6x768xf32>
    tpu.vector_store %arg33[%swap3A_243, %swap3A_244, %swap3A_245], %swap3A_248 {strides = array<i32>} : memref<1x997x768xf32, #tpu.memory_space<vmem>>, vector<1x6x768xf32>,
    %swap3A_249 = arith.constant 0 : index
    %swap3A_250 = arith.constant 963 : index
    %swap3A_251 = arith.constant 0 : index
    %swap3A_252 = vector.load %arg33[%swap3A_249, %swap3A_250, %swap3A_251] : memref<1x997x768xf32, #tpu.memory_space<vmem>>, vector<1x2x768xf32>
    %swap3A_253 = vector.shape_cast %swap3A_252 : vector<1x2x768xf32> to vector<2x768xf32>
    %swap3A_254 = vector.shape_cast %dot_general3A_242 : vector<2x768xf32> to vector<1x2x768xf32>
    tpu.vector_store %arg33[%swap3A_249, %swap3A_250, %swap3A_251], %swap3A_254 {strides = array<i32>} : memref<1x997x768xf32, #tpu.memory_space<vmem>>, vector<1x2x768xf32>,
    %get3A_255 = arith.constant 0 : index
    %get3A_256 = arith.constant 0 : index
    %get3A_257 = arith.constant 0 : index
    %get3A_258 = vector.load %arg17[%get3A_255, %get3A_256, %get3A_257] : memref<1x32x768xf32, #tpu.memory_space<vmem>>, vector<1x32x768xf32>
    %get3A_259 = vector.shape_cast %get3A_258 : vector<1x32x768xf32> to vector<32x768xf32>
    %swap3A_260 = arith.constant 0 : index
    %swap3A_261 = arith.constant 965 : index
    %swap3A_262 = arith.constant 0 : index
    %swap3A_263 = vector.load %arg33[%swap3A_260, %swap3A_261, %swap3A_262] : memref<1x997x768xf32, #tpu.memory_space<vmem>>, vector<1x32x768xf32>
    %swap3A_264 = vector.shape_cast %swap3A_263 : vector<1x32x768xf32> to vector<32x768xf32>
    %swap3A_265 = vector.shape_cast %get3A_259 : vector<32x768xf32> to vector<1x32x768xf32>
    tpu.vector_store %arg33[%swap3A_260, %swap3A_261, %swap3A_262], %swap3A_265 {strides = array<i32>} : memref<1x997x768xf32, #tpu.memory_space<vmem>>, vector<1x32x768xf32>,
    return
  }
  func.func @transform_0(%arg0: i32) -> (i32, i32, i32) {
    %c0_i32 = arith.constant 0 : i32
    %c0_i32_0 = arith.constant 0 : i32
    %c0_i32_1 = arith.constant 0 : i32
    return %arg0, %c0_i32, %c0_i32_0 : i32, i32, i32
  }
  func.func @transform_1(%arg0: i32) -> (i32, i32, i32) {
    %c0_i32 = arith.constant 0 : i32
    %c0_i32_0 = arith.constant 0 : i32
    %c0_i32_1 = arith.constant 0 : i32
    return %arg0, %c0_i32, %c0_i32_0 : i32, i32, i32
  }
  func.func @transform_2(%arg0: i32) -> (i32, i32, i32) {
    %c0_i32 = arith.constant 0 : i32
    %c0_i32_0 = arith.constant 0 : i32
    %c0_i32_1 = arith.constant 0 : i32
    return %arg0, %c0_i32, %c0_i32_0 : i32, i32, i32
  }
  func.func @transform_3(%arg0: i32) -> (i32, i32, i32) {
    %c0_i32 = arith.constant 0 : i32
    %c0_i32_0 = arith.constant 0 : i32
    %c0_i32_1 = arith.constant 0 : i32
    return %arg0, %c0_i32, %c0_i32_0 : i32, i32, i32
  }
  func.func @transform_4(%arg0: i32) -> (i32, i32, i32) {
    %c0_i32 = arith.constant 0 : i32
    %c0_i32_0 = arith.constant 0 : i32
    %c0_i32_1 = arith.constant 0 : i32
    return %arg0, %c0_i32, %c0_i32_0 : i32, i32, i32
  }
  func.func @transform_5(%arg0: i32) -> (i32, i32, i32) {
    %c0_i32 = arith.constant 0 : i32
    %c0_i32_0 = arith.constant 0 : i32
    %c0_i32_1 = arith.constant 0 : i32
    return %arg0, %c0_i32, %c0_i32_0 : i32, i32, i32
  }
  func.func @transform_6(%arg0: i32) -> (i32, i32, i32) {
    %c0_i32 = arith.constant 0 : i32
    %c0_i32_0 = arith.constant 0 : i32
    %c0_i32_1 = arith.constant 0 : i32
    return %arg0, %c0_i32, %c0_i32_0 : i32, i32, i32
  }
  func.func @transform_7(%arg0: i32) -> (i32, i32, i32) {
    %c0_i32 = arith.constant 0 : i32
    %c0_i32_0 = arith.constant 0 : i32
    %c0_i32_1 = arith.constant 0 : i32
    return %arg0, %c0_i32, %c0_i32_0 : i32, i32, i32
  }
  func.func @transform_8(%arg0: i32) -> (i32, i32, i32) {
    %c0_i32 = arith.constant 0 : i32
    %c0_i32_0 = arith.constant 0 : i32
    %c0_i32_1 = arith.constant 0 : i32
    return %arg0, %c0_i32, %c0_i32_0 : i32, i32, i32
  }
  func.func @transform_9(%arg0: i32) -> (i32, i32, i32) {
    %c0_i32 = arith.constant 0 : i32
    %c0_i32_0 = arith.constant 0 : i32
    %c0_i32_1 = arith.constant 0 : i32
    return %arg0, %c0_i32, %c0_i32_0 : i32, i32, i32
  }
  func.func @transform_10(%arg0: i32) -> (i32, i32, i32) {
    %c0_i32 = arith.constant 0 : i32
    %c0_i32_0 = arith.constant 0 : i32
    %c0_i32_1 = arith.constant 0 : i32
    return %arg0, %c0_i32, %c0_i32_0 : i32, i32, i32
  }
  func.func @transform_11(%arg0: i32) -> (i32, i32, i32) {
    %c0_i32 = arith.constant 0 : i32
    %c0_i32_0 = arith.constant 0 : i32
    %c0_i32_1 = arith.constant 0 : i32
    return %arg0, %c0_i32, %c0_i32_0 : i32, i32, i32
  }
  func.func @transform_12(%arg0: i32) -> (i32, i32, i32) {
    %c0_i32 = arith.constant 0 : i32
    %c0_i32_0 = arith.constant 0 : i32
    %c0_i32_1 = arith.constant 0 : i32
    return %arg0, %c0_i32, %c0_i32_0 : i32, i32, i32
  }
  func.func @transform_13(%arg0: i32) -> (i32, i32, i32) {
    %c0_i32 = arith.constant 0 : i32
    %c0_i32_0 = arith.constant 0 : i32
    %c0_i32_1 = arith.constant 0 : i32
    return %arg0, %c0_i32, %c0_i32_0 : i32, i32, i32
  }
  func.func @transform_14(%arg0: i32) -> (i32, i32, i32) {
    %c0_i32 = arith.constant 0 : i32
    %c0_i32_0 = arith.constant 0 : i32
    %c0_i32_1 = arith.constant 0 : i32
    return %arg0, %c0_i32, %c0_i32_0 : i32, i32, i32
  }
  func.func @transform_15(%arg0: i32) -> (i32, i32, i32) {
    %c0_i32 = arith.constant 0 : i32
    %c0_i32_0 = arith.constant 0 : i32
    %c0_i32_1 = arith.constant 0 : i32
    return %arg0, %c0_i32, %c0_i32_0 : i32, i32, i32
  }
  func.func @transform_16(%arg0: i32) -> (i32, i32, i32) {
    %c0_i32 = arith.constant 0 : i32
    %c0_i32_0 = arith.constant 0 : i32
    %c0_i32_1 = arith.constant 0 : i32
    return %arg0, %c0_i32, %c0_i32_0 : i32, i32, i32
  }
  func.func @transform_17(%arg0: i32) -> (i32, i32) {
    %c0_i32 = arith.constant 0 : i32
    %c0_i32_0 = arith.constant 0 : i32
    %c0_i32_1 = arith.constant 0 : i32
    return %c0_i32, %c0_i32_0 : i32, i32
  }
  func.func @transform_18(%arg0: i32) -> (i32, i32) {
    %c0_i32 = arith.constant 0 : i32
    %c0_i32_0 = arith.constant 0 : i32
    %c0_i32_1 = arith.constant 0 : i32
    return %c0_i32, %c0_i32_0 : i32, i32
  }
  func.func @transform_19(%arg0: i32) -> (i32, i32) {
    %c0_i32 = arith.constant 0 : i32
    %c0_i32_0 = arith.constant 0 : i32
    %c0_i32_1 = arith.constant 0 : i32
    return %c0_i32, %c0_i32_0 : i32, i32
  }
  func.func @transform_20(%arg0: i32) -> (i32, i32) {
    %c0_i32 = arith.constant 0 : i32
    %c0_i32_0 = arith.constant 0 : i32
    %c0_i32_1 = arith.constant 0 : i32
    return %c0_i32, %c0_i32_0 : i32, i32
  }
  func.func @transform_21(%arg0: i32) -> (i32, i32) {
    %c0_i32 = arith.constant 0 : i32
    %c0_i32_0 = arith.constant 0 : i32
    %c0_i32_1 = arith.constant 0 : i32
    return %c0_i32, %c0_i32_0 : i32, i32
  }
  func.func @transform_22(%arg0: i32) -> (i32, i32) {
    %c0_i32 = arith.constant 0 : i32
    %c0_i32_0 = arith.constant 0 : i32
    %c0_i32_1 = arith.constant 0 : i32
    return %c0_i32, %c0_i32_0 : i32, i32
  }
  func.func @transform_23(%arg0: i32) -> (i32, i32) {
    %c0_i32 = arith.constant 0 : i32
    %c0_i32_0 = arith.constant 0 : i32
    %c0_i32_1 = arith.constant 0 : i32
    return %c0_i32, %c0_i32_0 : i32, i32
  }
  func.func @transform_24(%arg0: i32) -> (i32, i32) {
    %c0_i32 = arith.constant 0 : i32
    %c0_i32_0 = arith.constant 0 : i32
    %c0_i32_1 = arith.constant 0 : i32
    return %c0_i32, %c0_i32_0 : i32, i32
  }
  func.func @transform_25(%arg0: i32) -> (i32, i32) {
    %c0_i32 = arith.constant 0 : i32
    %c0_i32_0 = arith.constant 0 : i32
    %c0_i32_1 = arith.constant 0 : i32
    return %c0_i32, %c0_i32_0 : i32, i32
  }
  func.func @transform_26(%arg0: i32) -> (i32, i32) {
    %c0_i32 = arith.constant 0 : i32
    %c0_i32_0 = arith.constant 0 : i32
    %c0_i32_1 = arith.constant 0 : i32
    return %c0_i32, %c0_i32_0 : i32, i32
  }
  func.func @transform_27(%arg0: i32) -> (i32, i32) {
    %c0_i32 = arith.constant 0 : i32
    %c0_i32_0 = arith.constant 0 : i32
    %c0_i32_1 = arith.constant 0 : i32
    return %c0_i32, %c0_i32_0 : i32, i32
  }
  func.func @transform_28(%arg0: i32) -> (i32, i32) {
    %c0_i32 = arith.constant 0 : i32
    %c0_i32_0 = arith.constant 0 : i32
    %c0_i32_1 = arith.constant 0 : i32
    return %c0_i32, %c0_i32_0 : i32, i32
  }
  func.func @transform_29(%arg0: i32) -> (i32, i32) {
    %c0_i32 = arith.constant 0 : i32
    %c0_i32_0 = arith.constant 0 : i32
    %c0_i32_1 = arith.constant 0 : i32
    return %c0_i32, %c0_i32_0 : i32, i32
  }
  func.func @transform_30(%arg0: i32) -> (i32, i32) {
    %c0_i32 = arith.constant 0 : i32
    %c0_i32_0 = arith.constant 0 : i32
    %c0_i32_1 = arith.constant 0 : i32
    return %c0_i32, %c0_i32_0 : i32, i32
  }
  func.func @transform_31(%arg0: i32) -> (i32, i32) {
    %c0_i32 = arith.constant 0 : i32
    %c0_i32_0 = arith.constant 0 : i32
    %c0_i32_1 = arith.constant 0 : i32
    return %c0_i32, %c0_i32_0 : i32, i32
  }
  func.func @transform_32(%arg0: i32) -> (i32, i32, i32) {
    %c0_i32 = arith.constant 0 : i32
    %c0_i32_0 = arith.constant 0 : i32
    %c0_i32_1 = arith.constant 0 : i32
    return %arg0, %c0_i32, %c0_i32_0 : i32, i32, i32
  }
}

</mosaic_0001>

<sc_bundles>
// kernel: kernel.4.cloned.1.call-start
scs
__scs_entry_jumppad:
0x0: {  	(pc) =	sbr.rel $0x88, $3  }
0x1: {  	(tag) =	ssettag $0x0;
	lr =	simm.s32 $0x1  }
0x2: {  	[smem:$0x3F84] =	sst lr;
	_ =	strace $0xD0000000  }
0x3: {  	_ = 	snop  }
0x4: {  	_ = 	snop  }
0x5: {  	_ = 	snop  }
0x6: {  	_ = 	snop  }
0x7: {  	_ = 	snop  }
__scs_overlays_trampoline_lowered:
0x8: {  	[smem:$0x3F93] =	sst s0  }
0x9: {  	[smem:$0x3F94] =	sst s1  }
0xa: {  	[smem:$0x3F95] =	sst s2  }
0xb: {  	[smem:$0x3F96] =	sst s3  }
0xc: {  	[smem:$0x3F97] =	sst s4  }
0xd: {  	[smem:$0x3F98] =	sst s5  }
0xe: {  	[smem:$0x3F99] =	sst s6  }
0xf: {  	[smem:$0x3F9A] =	sst s7  }
0x10: {  	[smem:$0x3F9B] =	sst s8  }
0x11: {  	[smem:$0x3F9C] =	sst s9;
	s0 =	simm.s32 @!p0 $0x0  }
0x12: {  	s1 =	sld [smem:$0x3F82];
	s0 =	simm.s32 @p0 $0x1  }
0x13: {  	[smem:$0x3F9D] =	sst s0;
	s0 =	simm.s32 @!p1 $0x0  }
0x14: {  	s2 =	sld [smem:$0x3F81];
	s0 =	simm.s32 @p1 $0x1  }
0x15: {  	[smem:$0x3F9E] =	sst s0;
	s0 =	simm.s32 @!p2 $0x0  }
0x16: {  	s3 =	sld [smem:$0x3FDB];
	s0 =	simm.s32 @p2 $0x1  }
0x17: {  	s4 =	simm.s32 $0x1BF5;
	[smem:$0x3FA0] =	sst s0  }
0x18: {  	s0 =	sld [smem:$0x3F83];
	_ =	swait.ge [sflag:s4], $0x0  }
0x19: {  	s7 =	sld [smem:$0x3F84]  }
0x1a: {  	s8 =	sadd.s32 $0xFFFFE003, lr  }
0x1b: {  	s9 =	sadd.s32 $0xFFFFFEF7, lr;
	s5 =	simm.s32 $0xFFFFFFFF;
	p2 =	slt.u32 s8, $0xFFFFF086  }
0x1c: {  	p1 =	slt.u32 s9, $0xF7A;
	s5 =	simm.s32 @!p2 $0x0  }
0x1d: {  	s5 =	simm.s32 @p1 $0x1;
	p0 =	seq.s32 s7, s2  }
0x1e: {  	s7 =	smul.u32 @!p0 $0xF7A, s2;
	p2 =	seq.s32 @!p0 s5, $0x0  }
0x1f: {  	s9 =	smul.u32 $0xF7A, s1;
	s8 =	simm.s32 @!p0 $0x1BF5;
	p2 =	por !p2, p0  }
0x20: {  	[sflag:s8] =	ssyncset.s32 @!p0 $0xFFFFF086;
	s6 =	sadd.s32 @!p0 s3, s7;
	s7 =	simm.s32 @!p0 $0x108  }
0x21: {  	s3 =	sadd.s32 s3, s9;
	s6 =	sadd.s32 @!p0 $0x88, s6;
	s7 =	simm.s32 @p2 $0x1082  }
0x22: {  	[simem:s7], [sflag:s8] =	dma.local @!p0 [hbm:s6], $0xF7A  }
0x23: {  	s9 =	sor.u32 $0xD0000000, s2;
	s6 =	simm.s32 $0x108;
	_ =	swait.ge @!p0 [sflag:s8], $0x0  }
0x24: {  	s3 =	sadd.s32 $0x88, s3;
	s6 =	simm.s32 @!p1 $0x1082;
	[sflag:s4] =	ssyncset.s32 $0xFFFFF086  }
0x25: {  	[simem:s6], [sflag:s4] =	dma.local [hbm:s3], $0xF7A  }
0x26: {  	[smem:$0x3F84] =	sst s1;
	(tag) =	ssettag s2;
	_ =	strace s9  }
0x27: {  	s1 =	sld [smem:$0x3F94]  }
0x28: {  	s2 =	sld [smem:$0x3F95]  }
0x29: {  	s4 =	sld [smem:$0x3F97]  }
0x2a: {  	p0 =	seq.s32 s5, $0x0;
	s5 =	sld [smem:$0x3F98]  }
0x2b: {  	s6 =	sld [smem:$0x3F99]  }
0x2c: {  	s7 =	sld [smem:$0x3F9A]  }
0x2d: {  	s3 =	simm.s32 $0x108;
	s8 =	sld [smem:$0x3F9B]  }
0x2e: {  	s3 =	simm.s32 @!p0 $0x1082;
	s9 =	sld [smem:$0x3F9C]  }
0x2f: {  	lr =	sadd.s32 s0, s3;
	s0 =	sld [smem:$0x3F93]  }
0x30: {  	s3 =	sld [smem:$0x3F96]  }
0x31: {  	[smem:$0x3F9F] =	sst s10  }
0x32: {  	s10 =	sld [smem:$0x3F9D];
	_ =	sdelay $0x3  }
0x33: {  	p0 =	seq.s32 s10, $0x1;
	s10 =	sld [smem:$0x3F9F];
	_ =	sdelay $0x3  }
0x34: {  	[smem:$0x3F9F] =	sst s10  }
0x35: {  	s10 =	sld [smem:$0x3F9E];
	_ =	sdelay $0x3  }
0x36: {  	p1 =	seq.s32 s10, $0x1;
	s10 =	sld [smem:$0x3F9F];
	_ =	sdelay $0x3  }
0x37: {  	[smem:$0x3F9F] =	sst s10  }
0x38: {  	s10 =	sld [smem:$0x3FA0]  }
0x39: {  	_ = 	snop;
	(pc) =	sbr.ind lr, $3  }
0x3a: {  	_ = 	snop  }
0x3b: {  	_ = 	snop  }
0x3c: {  	p2 =	seq.s32 s10, $0x1;
	s10 =	sld [smem:$0x3F9F]  }
0x3d: {  	_ =	shalt  }
0x3e: {  	_ =	shalt  }
0x3f: {  	_ =	shalt  }
0x40: {  	_ =	shalt  }
0x41: {  	_ =	shalt  }
0x42: {  	_ =	shalt  }
0x43: {  	_ =	shalt  }
0x44: {  	_ =	shalt  }
0x45: {  	_ =	shalt  }
0x46: {  	_ =	shalt  }
0x47: {  	_ =	shalt  }
0x48: {  	_ =	shalt  }
0x49: {  	_ =	shalt  }
0x4a: {  	_ =	shalt  }
0x4b: {  	_ =	shalt  }
0x4c: {  	_ =	shalt  }
0x4d: {  	_ =	shalt  }
0x4e: {  	_ =	shalt  }
0x4f: {  	_ =	shalt  }
0x50: {  	_ =	shalt  }
0x51: {  	_ =	shalt  }
0x52: {  	_ =	shalt  }
0x53: {  	_ =	shalt  }
0x54: {  	_ =	shalt  }
0x55: {  	_ =	shalt  }
0x56: {  	_ =	shalt  }
0x57: {  	_ =	shalt  }
0x58: {  	_ =	shalt  }
0x59: {  	_ =	shalt  }
0x5a: {  	_ =	shalt  }
0x5b: {  	_ =	shalt  }
0x5c: {  	_ =	shalt  }
0x5d: {  	_ =	shalt  }
0x5e: {  	_ =	shalt  }
0x5f: {  	_ =	shalt  }
0x60: {  	_ =	shalt  }
0x61: {  	_ =	shalt  }
0x62: {  	_ =	shalt  }
0x63: {  	_ =	shalt  }
0x64: {  	_ =	shalt  }
0x65: {  	_ =	shalt  }
0x66: {  	_ =	shalt  }
0x67: {  	_ =	shalt  }
0x68: {  	_ =	shalt  }
0x69: {  	_ =	shalt  }
0x6a: {  	_ =	shalt  }
0x6b: {  	_ =	shalt  }
0x6c: {  	_ =	shalt  }
0x6d: {  	_ =	shalt  }
0x6e: {  	_ =	shalt  }
0x6f: {  	_ =	shalt  }
0x70: {  	_ =	shalt  }
0x71: {  	_ =	shalt  }
0x72: {  	_ =	shalt  }
0x73: {  	_ =	shalt  }
0x74: {  	_ =	shalt  }
0x75: {  	_ =	shalt  }
0x76: {  	_ =	shalt  }
0x77: {  	_ =	shalt  }
0x78: {  	_ =	shalt  }
0x79: {  	_ =	shalt  }
0x7a: {  	_ =	shalt  }
0x7b: {  	_ =	shalt  }
0x7c: {  	_ =	shalt  }
0x7d: {  	_ =	shalt  }
0x7e: {  	_ =	shalt  }
0x7f: {  	_ =	shalt  }
0x80: {  	_ =	shalt  }
0x81: {  	_ =	shalt  }
0x82: {  	_ =	shalt  }
0x83: {  	_ =	shalt  }
0x84: {  	_ =	shalt  }
0x85: {  	_ =	shalt  }
0x86: {  	_ =	shalt  }
0x87: {  	_ =	shalt  }
.Lfunc_end0:
.L_simem_size_0:
called_computation_lowered:
.L_overlay_start_0:
0x88: {  	s2 =	sld [smem:$0x3FD9]  }
0x89: {  	s3 =	sld [smem:$0x3FFE];
	_ =	sdelay $0x1  }
0x8a: {  	s1 =	srdreg.scid  }
0x8b: {  	s0 =	sand.u32 $0x1, s1  }
0x8c: {  	s17 =	sshll.u32 s0, $0xA;
	s2 =	sadd.s32 s3, s2  }
0x8d: {  	s2 =	sadd.s32 s2, s17  }
0x8e: {  	[smem:$0x3FAB] =	sst s2  }
0x8f: {  	_ = 	snop  }
0x90: {  	s2 =	sld [smem:$0x3FBC]  }
0x91: {  	s18 =	sld [smem:$0x3FD0];
	(tm) =	ssettm $0x1  }
0x92: {  	s4 =	sld [smem:$0x3FFB];
	_ =	sdelay $0x3  }
0x93: {  	_ =	strace s4  }
0x94: {  	s4 =	sld [smem:$0x3FFC];
	_ =	sdelay $0x3  }
0x95: {  	_ =	strace s4  }
0x96: {  	s4 =	sld [smem:$0x3FFD];
	_ =	sdelay $0x3  }
0x97: {  	_ =	strace s4  }
0x98: {  	_ =	strace $0x8FFFFFFF  }
0x99: {  	s19 =	sld [smem:$0x3FDB];
	_ =	sdelay $0x1  }
0x9a: {  	s5 =	simm.s32 $_scs_section_size  }
0x9b: {  	s6 =	simm.s32 $_size__tile_overlayer_lowered;
	s7 =	simm.s32 $_tile_overlayer_lowered  }
0x9c: {  	s22 =	simm.s32 $0x1BFF;
	s21 =	sshll.u32 s7, $0x1;
	s4 =	sadd.s32 s5, s19  }
0x9d: {  	s8 =	simm.s32 $0x0;
	s20 =	sshll.u32 s6, $0x1;
	s6 =	sadd.s32 s21, s4  }
0x9e: {  	[timem:s8], [sflag:s22] =	dma.local [hbm:s6], s20  }
0x9f: {  	_ =	swait.ge [sflag:s22], s20  }
0xa0: {  	s5 =	ssub.s32 $0x0, s20;
	[sflag:s22] =	ssyncset.done $0x0  }
0xa1: {  	[sflag:s22] =	ssyncadd.s32 s5;
	_ =	sdelay $0x1  }
0xa2: {  	s23 =	simm.s32 $0x1B8B  }
0xa3: {  	_ =	swait.ge [sflag:s23], $0x1  }
0xa4: {  	[sflag:s23] =	ssyncset.done $0x0  }
0xa5: {  	s25 =	simm.s32 $0x1B8E;
	s24 =	sld [smem:$0x3FFE];
	[sflag:s23] =	ssyncadd.s32 $0xFFFFFFFF  }
0xa6: {  	s26 =	simm.s32 $execute0_lowered;
	[smem:$0x3FD2] =	sst s25  }
0xa7: {  	s6 =	sshll.u32 s26, $0x1;
	_ =	strace $0x80000046;
	[dreg:$0x1] =	wrdreg $0xFFFFFFFF  }
0xa8: {  	s28 =	simm.s32 $_size_execute0_lowered;
	s4 =	sadd.s32 s4, s6;
	[dreg:$0x0] =	wrdreg $0x0  }
0xa9: {  	s6 =	sshll.u32 s28, $0x1;
	[dreg:$0x2] =	wrdreg s4  }
0xaa: {  	[dreg:$0x3] =	wrdreg s6  }
0xab: {  	[dreg:$0x4] =	wrdreg $0xC0  }
0xac: {  	_ =	task [dreg:s8], $0x5FFFF  }
0xad: {  	[dreg:$0x1] =	wrdreg $0xFFFFFFFF  }
0xae: {  	[dreg:$0x0] =	wrdreg $0x60  }
0xaf: {  	[dreg:$0x2] =	wrdreg s2  }
0xb0: {  	[dreg:$0x3] =	wrdreg s24  }
0xb1: {  	[dreg:$0x4] =	wrdreg s18  }
0xb2: {  	[dreg:$0x5] =	wrdreg $0x9  }
0xb3: {  	_ =	task.clear_ibuf [dreg:s8], $0x6FFFF;
	_ =	strace $0x90000046  }
0xb4: {  	s29 =	simm.s32 $0x9;
	_ =	strace $0x80000048  }
0xb5: {  	_ =	swait.ge [sflag:s29], $0x1  }
0xb6: {  	[sflag:s29] =	ssyncadd.s32 $0xFFFFFFFF  }
0xb7: {  	_ =	strace $0x90000048  }
0xb8: {  	_ =	sfence  }
0xb9: {  	s30 =	sld [smem:$0x0];
	_ =	sdelay $0x2  }
0xba: {  	s31 =	sshll.u32 s1, $0xD;
	s1 =	sshrl.u32 s1, $0x2  }
0xbb: {  	s3 =	sand.u32 $0x4000, s31;
	s1 =	sadd.s32 s1, s30  }
0xbc: {  	s0 =	sor.u32 s3, s0;
	s1 =	sshll.u32 s1, $0x11  }
0xbd: {  	s0 =	sor.u32 s1, s0  }
0xbe: {  	s0 =	sadd.s32 $0x8F2B, s0  }
0xbf: {  	[sflag:s0] =	ssyncadd.remote.s32 $0x1  }
0xc0: {  	_ =	sfence.sel $0xFFFF  }
0xc1: {  	[dreg:$0x0] =	wrdreg $0xFFFFFFFF;
	(pc) =	sbr.abs _section_cstart, $3  }
0xc2: {  	[dreg:$0x1] =	wrdreg $0xFFFFFFFF  }
0xc3: {  	_ =	task.clear_ibuf [dreg:s8], $0x2FFFF;
	_ =	strace $0x9FFFFFFF  }
0xc4: {  	(tm) =	ssettm $0x7FFFFFFF  }
0xc5: {  	_ =	shalt  }
tec
execute0_lowered:
.L_overlay_start_1:
0x0: {  	(tag) =	ssettag $0x1  }
0x1: {  	s1 =	rddreg [dreg:$0x0];
	s0 =	srdreg.scid  }
0x2: {  	s3 =	stileid.u32;
	s2 =	rddreg [dreg:$0x1]  }
0x3: {  	s4 =	rddreg [dreg:$0x2];
	s24 =	simm.s32 $0x12100;
	s25 =	simm.s32 $0x12900  }
0x4: {  	s26 =	simm.s32 $0x13100;
	s20 =	simm.s32 $0x1;
	s28 =	simm.s32 $0x2900  }
0x5: {  	s29 =	simm.s32 $0x3100;
	s30 =	simm.s32 $0x3900;
	s31 =	simm.s32 $0x4100  }
0x6: {  	s9 =	simm.s32 $0x5900;
	s10 =	simm.s32 $0x6100;
	s11 =	simm.s32 $0x6900  }
0x7: {  	s12 =	simm.s32 $0x7100;
	s13 =	simm.s32 $0x7900;
	s14 =	simm.s32 $0x8100  }
0x8: {  	s15 =	simm.s32 $0x8900;
	s16 =	simm.s32 $0x9100;
	s17 =	simm.s32 $0x9900  }
0x9: {  	s18 =	simm.s32 $0xA100;
	s0 =	sand.u32 $0x1, s0;
	s3 =	sshll.u32 s3, $0x1  }
0xa: {  	s19 =	simm.s32 $0xA900;
	s5 =	sor.u32 s0, s3;
	s3 =	simm.s32 $0x0  }
0xb: {  	s0 =	ssub.s32 $0x2, s0;
	s5 =	smul.u32 $0xC8, s5;
	[smem:$0x7FF] =	sst s3  }
0xc: {  	s7 =	sshrl.u32 s0, $0x1;
	_ =	strace $0x80000047;
	[dreg:$0x7] =	wrdreg s24  }
0xd: {  	s0 =	ssub.s32 s0, s7;
	s7 =	simm.s32 $0x2;
	[dreg:$0x8] =	wrdreg s25  }
0xe: {  	[dreg:$0x9] =	wrdreg s26;
	s24 =	simm.s32 $0x1100;
	s6 =	sshrl.u32 s5, $0x3  }
0xf: {  	s25 =	simm.s32 $0x1900;
	s5 =	sadd.s32 $0x68, s5;
	s2 =	sadd.s32 s6, s2  }
0x10: {  	s6 =	smul.u32 $0x300, s6;
	s5 =	sshrl.u32 s5, $0x3;
	s2 =	sadd.s32 $0x3200, s2  }
0x11: {  	s26 =	simm.s32 $0x2100;
	s5 =	smul.u32 $0x300, s5;
	[dreg:$0x4] =	wrdreg s2  }
0x12: {  	v2 =	vlaneseq.u32;
	s22 =	sadd.s32 s4, s6;
	s6 =	smax.u32 s0, $0x1;
	s0 =	simm.s32 $0x100  }
0x13: {  	vm0 =	vmmov $0xffff;
	v1 =	vshrl.u32 v2, $0x3;
	[dreg:$0x5] =	wrdreg s22;
	s23 =	sadd.s32 s4, s5;
	s4 =	sadd.s32 $0x100, s1  }
0x14: {  	v0 =	vand.u32 $0x7, v2;
	v2 =	vor.u32 $0x8, v2;
	v1 =	vmul.u32 $0x8, v1;
	s5 =	sadd.s32 $0x200, s1;
	[dreg:$0x6] =	wrdreg s23;
	s23 =	simm.s32 $0x900  }
.LBB2_1:
0x15: {  	s21 =	rddreg [dreg:$0x4]  }
0x16: {  	[tilespmem:s3], [sflag:$0x2] =	stream.linear.gather [hbm4b:s21+s3], $0xC8, $0x38;
	[tilespmem:$0x13900] =	vst v63  }
0x17: {  	_ =	swait.ge [sflag:s7], $0xC8  }
0x18: {  	[sflag:s7] =	ssyncset.done $0x0  }
0x19: {  	[sflag:s7] =	ssyncadd.s32 $0xFFFFFF38  }
0x1a: {  	v3 =	vld [tilespmem:$0x0];
	_ =	sdelay $0x4  }
0x1b: {  	v4 =	vshrl.u32 v3, $0x3  }
0x1c: {  	v4 =	vmul.u32 $0x30, v4  }
0x1d: {  	v3 =	vand.u32 $0x7, v3  }
0x1e: {  	v3 =	vor.u32 v3, v4  }
0x1f: {  	v4 =	vperm.xlane v3, v0;
	_ =	sdelay $0x1  }
0x20: {  	v4 =	vadd.s32 v1, v4;
	_ =	sdelay $0x3  }
0x21: {  	v3 =	vperm.xlane v3, v2  }
0x22: {  	[tilespmem:s0], [sflag:$0x1] =	stream.indirect_vreg.gather [hbm4b:s1+s3], $0x80, v4, vm0, $0xb8;
	[tilespmem:$0x13900] =	vst v63  }
0x23: {  	v3 =	vadd.s32 v1, v3  }
0x24: {  	[tilespmem:s23], [sflag:$0x1] =	stream.indirect_vreg.gather [hbm4b:s4+s3], $0x80, v4, vm0, $0xb8;
	[tilespmem:$0x13900] =	vst v63  }
0x25: {  	_ = 	snop  }
0x26: {  	[tilespmem:s24], [sflag:$0x1] =	stream.indirect_vreg.gather [hbm4b:s5+s3], $0x80, v4, vm0, $0xb8;
	[tilespmem:$0x13900] =	vst v63  }
0x27: {  	_ = 	snop  }
0x28: {  	[tilespmem:s25], [sflag:$0x1] =	stream.indirect_vreg.gather [hbm4b:s1+s3], $0x80, v3, vm0, $0xb8;
	[tilespmem:$0x13900] =	vst v63  }
0x29: {  	_ = 	snop  }
0x2a: {  	[tilespmem:s26], [sflag:$0x1] =	stream.indirect_vreg.gather [hbm4b:s4+s3], $0x80, v3, vm0, $0xb8;
	[tilespmem:$0x13900] =	vst v63  }
0x2b: {  	_ = 	snop  }
0x2c: {  	[tilespmem:s28], [sflag:$0x1] =	stream.indirect_vreg.gather [hbm4b:s5+s3], $0x80, v3, vm0, $0xb8;
	[tilespmem:$0x13900] =	vst v63  }
0x2d: {  	v3 =	vld [tilespmem:$0x10];
	_ =	sdelay $0x4  }
0x2e: {  	v52 =	vshrl.u32 v3, $0x3  }
0x2f: {  	v4 =	vmul.u32 $0x30, v52  }
0x30: {  	v3 =	vand.u32 $0x7, v3  }
0x31: {  	v3 =	vor.u32 v3, v4  }
0x32: {  	v4 =	vperm.xlane v3, v0;
	_ =	sdelay $0x1  }
0x33: {  	v4 =	vadd.s32 v1, v4;
	_ =	sdelay $0x3  }
0x34: {  	v3 =	vperm.xlane v3, v2  }
0x35: {  	[tilespmem:s29], [sflag:$0x1] =	stream.indirect_vreg.gather [hbm4b:s1+s3], $0x80, v4, vm0, $0xb8;
	[tilespmem:$0x13900] =	vst v63  }
0x36: {  	v3 =	vadd.s32 v1, v3  }
0x37: {  	[tilespmem:s30], [sflag:$0x1] =	stream.indirect_vreg.gather [hbm4b:s4+s3], $0x80, v4, vm0, $0xb8;
	[tilespmem:$0x13900] =	vst v63  }
0x38: {  	_ = 	snop  }
0x39: {  	[tilespmem:s31], [sflag:$0x1] =	stream.indirect_vreg.gather [hbm4b:s5+s3], $0x80, v4, vm0, $0xb8;
	[tilespmem:$0x13900] =	vst v63  }
0x3a: {  	s2 =	simm.s32 $0x4900  }
0x3b: {  	[tilespmem:s2], [sflag:$0x1] =	stream.indirect_vreg.gather [hbm4b:s1+s3], $0x80, v3, vm0, $0xb8;
	[tilespmem:$0x13900] =	vst v63  }
0x3c: {  	s8 =	simm.s32 $0x5100  }
0x3d: {  	[tilespmem:s8], [sflag:$0x1] =	stream.indirect_vreg.gather [hbm4b:s4+s3], $0x80, v3, vm0, $0xb8;
	[tilespmem:$0x13900] =	vst v63  }
0x3e: {  	_ = 	snop  }
0x3f: {  	[tilespmem:s9], [sflag:$0x1] =	stream.indirect_vreg.gather [hbm4b:s5+s3], $0x80, v3, vm0, $0xb8;
	[tilespmem:$0x13900] =	vst v63  }
0x40: {  	v3 =	vld [tilespmem:$0x20];
	_ =	sdelay $0x4  }
0x41: {  	v53 =	vshrl.u32 v3, $0x3  }
0x42: {  	v4 =	vmul.u32 $0x30, v53  }
0x43: {  	v3 =	vand.u32 $0x7, v3  }
0x44: {  	v3 =	vor.u32 v3, v4  }
0x45: {  	v4 =	vperm.xlane v3, v0;
	_ =	sdelay $0x1  }
0x46: {  	v4 =	vadd.s32 v1, v4;
	_ =	sdelay $0x3  }
0x47: {  	v3 =	vperm.xlane v3, v2  }
0x48: {  	[tilespmem:s10], [sflag:$0x1] =	stream.indirect_vreg.gather [hbm4b:s1+s3], $0x80, v4, vm0, $0xb8;
	[tilespmem:$0x13900] =	vst v63  }
0x49: {  	v3 =	vadd.s32 v1, v3  }
0x4a: {  	[tilespmem:s11], [sflag:$0x1] =	stream.indirect_vreg.gather [hbm4b:s4+s3], $0x80, v4, vm0, $0xb8;
	[tilespmem:$0x13900] =	vst v63  }
0x4b: {  	_ = 	snop  }
0x4c: {  	[tilespmem:s12], [sflag:$0x1] =	stream.indirect_vreg.gather [hbm4b:s5+s3], $0x80, v4, vm0, $0xb8;
	[tilespmem:$0x13900] =	vst v63  }
0x4d: {  	_ = 	snop  }
0x4e: {  	[tilespmem:s13], [sflag:$0x1] =	stream.indirect_vreg.gather [hbm4b:s1+s3], $0x80, v3, vm0, $0xb8;
	[tilespmem:$0x13900] =	vst v63  }
0x4f: {  	_ = 	snop  }
0x50: {  	[tilespmem:s14], [sflag:$0x1] =	stream.indirect_vreg.gather [hbm4b:s4+s3], $0x80, v3, vm0, $0xb8;
	[tilespmem:$0x13900] =	vst v63  }
0x51: {  	_ = 	snop  }
0x52: {  	[tilespmem:s15], [sflag:$0x1] =	stream.indirect_vreg.gather [hbm4b:s5+s3], $0x80, v3, vm0, $0xb8;
	[tilespmem:$0x13900] =	vst v63  }
0x53: {  	v3 =	vld [tilespmem:$0x30];
	_ =	sdelay $0x4  }
0x54: {  	v54 =	vshrl.u32 v3, $0x3  }
0x55: {  	v4 =	vmul.u32 $0x30, v54  }
0x56: {  	v3 =	vand.u32 $0x7, v3  }
0x57: {  	v3 =	vor.u32 v3, v4  }
0x58: {  	v4 =	vperm.xlane v3, v0;
	_ =	sdelay $0x1  }
0x59: {  	v4 =	vadd.s32 v1, v4;
	_ =	sdelay $0x3  }
0x5a: {  	v3 =	vperm.xlane v3, v2  }
0x5b: {  	[tilespmem:s16], [sflag:$0x1] =	stream.indirect_vreg.gather [hbm4b:s1+s3], $0x80, v4, vm0, $0xb8;
	[tilespmem:$0x13900] =	vst v63  }
0x5c: {  	v3 =	vadd.s32 v1, v3  }
0x5d: {  	[tilespmem:s17], [sflag:$0x1] =	stream.indirect_vreg.gather [hbm4b:s4+s3], $0x80, v4, vm0, $0xb8;
	[tilespmem:$0x13900] =	vst v63  }
0x5e: {  	_ = 	snop  }
0x5f: {  	[tilespmem:s18], [sflag:$0x1] =	stream.indirect_vreg.gather [hbm4b:s5+s3], $0x80, v4, vm0, $0xb8;
	[tilespmem:$0x13900] =	vst v63  }
0x60: {  	_ = 	snop  }
0x61: {  	[tilespmem:s19], [sflag:$0x1] =	stream.indirect_vreg.gather [hbm4b:s1+s3], $0x80, v3, vm0, $0xb8;
	[tilespmem:$0x13900] =	vst v63  }
0x62: {  	s8 =	simm.s32 $0xB100  }
0x63: {  	[tilespmem:s8], [sflag:$0x1] =	stream.indirect_vreg.gather [hbm4b:s4+s3], $0x80, v3, vm0, $0xb8;
	[tilespmem:$0x13900] =	vst v63  }
0x64: {  	s22 =	simm.s32 $0xB900  }
0x65: {  	[tilespmem:s22], [sflag:$0x1] =	stream.indirect_vreg.gather [hbm4b:s5+s3], $0x80, v3, vm0, $0xb8;
	[tilespmem:$0x13900] =	vst v63  }
0x66: {  	v3 =	vld [tilespmem:$0x40];
	_ =	sdelay $0x4  }
0x67: {  	v55 =	vshrl.u32 v3, $0x3  }
0x68: {  	v4 =	vmul.u32 $0x30, v55  }
0x69: {  	v3 =	vand.u32 $0x7, v3  }
0x6a: {  	v3 =	vor.u32 v3, v4  }
0x6b: {  	v4 =	vperm.xlane v3, v0;
	_ =	sdelay $0x1  }
0x6c: {  	v4 =	vadd.s32 v1, v4;
	_ =	sdelay $0x3  }
0x6d: {  	s22 =	simm.s32 $0xC100;
	v3 =	vperm.xlane v3, v2  }
0x6e: {  	[tilespmem:s22], [sflag:$0x1] =	stream.indirect_vreg.gather [hbm4b:s1+s3], $0x80, v4, vm0, $0xb8;
	[tilespmem:$0x13900] =	vst v63  }
0x6f: {  	v3 =	vadd.s32 v1, v3;
	s22 =	simm.s32 $0xC900  }
0x70: {  	[tilespmem:s22], [sflag:$0x1] =	stream.indirect_vreg.gather [hbm4b:s4+s3], $0x80, v4, vm0, $0xb8;
	[tilespmem:$0x13900] =	vst v63  }
0x71: {  	s22 =	simm.s32 $0xD100  }
0x72: {  	[tilespmem:s22], [sflag:$0x1] =	stream.indirect_vreg.gather [hbm4b:s5+s3], $0x80, v4, vm0, $0xb8;
	[tilespmem:$0x13900] =	vst v63  }
0x73: {  	s22 =	simm.s32 $0xD900  }
0x74: {  	[tilespmem:s22], [sflag:$0x1] =	stream.indirect_vreg.gather [hbm4b:s1+s3], $0x80, v3, vm0, $0xb8;
	[tilespmem:$0x13900] =	vst v63  }
0x75: {  	s22 =	simm.s32 $0xE100  }
0x76: {  	[tilespmem:s22], [sflag:$0x1] =	stream.indirect_vreg.gather [hbm4b:s4+s3], $0x80, v3, vm0, $0xb8;
	[tilespmem:$0x13900] =	vst v63  }
0x77: {  	s22 =	simm.s32 $0xE900  }
0x78: {  	[tilespmem:s22], [sflag:$0x1] =	stream.indirect_vreg.gather [hbm4b:s5+s3], $0x80, v3, vm0, $0xb8;
	[tilespmem:$0x13900] =	vst v63  }
0x79: {  	v3 =	vld [tilespmem:$0x50];
	_ =	sdelay $0x4  }
0x7a: {  	v56 =	vshrl.u32 v3, $0x3  }
0x7b: {  	v4 =	vmul.u32 $0x30, v56  }
0x7c: {  	v3 =	vand.u32 $0x7, v3  }
0x7d: {  	v3 =	vor.u32 v3, v4  }
0x7e: {  	v4 =	vperm.xlane v3, v0;
	_ =	sdelay $0x1  }
0x7f: {  	v4 =	vadd.s32 v1, v4;
	_ =	sdelay $0x3  }
0x80: {  	s22 =	simm.s32 $0xF100;
	v3 =	vperm.xlane v3, v2  }
0x81: {  	[tilespmem:s22], [sflag:$0x1] =	stream.indirect_vreg.gather [hbm4b:s1+s3], $0x80, v4, vm0, $0xb8;
	[tilespmem:$0x13900] =	vst v63  }
0x82: {  	v3 =	vadd.s32 v1, v3;
	s22 =	simm.s32 $0xF900  }
0x83: {  	[tilespmem:s22], [sflag:$0x1] =	stream.indirect_vreg.gather [hbm4b:s4+s3], $0x80, v4, vm0, $0xb8;
	[tilespmem:$0x13900] =	vst v63  }
0x84: {  	s22 =	simm.s32 $0x10100  }
0x85: {  	[tilespmem:s22], [sflag:$0x1] =	stream.indirect_vreg.gather [hbm4b:s5+s3], $0x80, v4, vm0, $0xb8;
	[tilespmem:$0x13900] =	vst v63  }
0x86: {  	s22 =	simm.s32 $0x10900  }
0x87: {  	[tilespmem:s22], [sflag:$0x1] =	stream.indirect_vreg.gather [hbm4b:s1+s3], $0x80, v3, vm0, $0xb8;
	[tilespmem:$0x13900] =	vst v63  }
0x88: {  	s22 =	simm.s32 $0x11100  }
0x89: {  	[tilespmem:s22], [sflag:$0x1] =	stream.indirect_vreg.gather [hbm4b:s4+s3], $0x80, v3, vm0, $0xb8;
	[tilespmem:$0x13900] =	vst v63  }
0x8a: {  	s22 =	simm.s32 $0x11900  }
0x8b: {  	[tilespmem:s22], [sflag:$0x1] =	stream.indirect_vreg.gather [hbm4b:s5+s3], $0x80, v3, vm0, $0xb8;
	[tilespmem:$0x13900] =	vst v63  }
0x8c: {  	v3 =	vld.msk [tilespmem:$0x60], $0xff;
	_ =	sdelay $0x4  }
0x8d: {  	v57 =	vshrl.u32 v3, $0x3  }
0x8e: {  	v4 =	vmul.u32 $0x30, v57  }
0x8f: {  	v3 =	vand.u32 $0x7, v3  }
0x90: {  	v3 =	vor.u32 v3, v4  }
0x91: {  	v3 =	vperm.xlane v3, v0;
	_ =	sdelay $0x1  }
0x92: {  	v3 =	vadd.s32 v1, v3;
	_ =	sdelay $0x3  }
0x93: {  	s21 =	rddreg [dreg:$0x7]  }
0x94: {  	[tilespmem:s21], [sflag:$0x1] =	stream.indirect_vreg.gather [hbm4b:s1+s3], $0x80, v3, vm0, $0xb8;
	[tilespmem:$0x13900] =	vst v63  }
0x95: {  	s22 =	rddreg [dreg:$0x8]  }
0x96: {  	[tilespmem:s22], [sflag:$0x1] =	stream.indirect_vreg.gather [hbm4b:s4+s3], $0x80, v3, vm0, $0xb8;
	[tilespmem:$0x13900] =	vst v63  }
0x97: {  	s21 =	rddreg [dreg:$0x9]  }
0x98: {  	[tilespmem:s21], [sflag:$0x1] =	stream.indirect_vreg.gather [hbm4b:s5+s3], $0x80, v3, vm0, $0xb8;
	[tilespmem:$0x13900] =	vst v63  }
0x99: {  	_ =	swait.ge [sflag:s20], $0x13800  }
0x9a: {  	[sflag:s20] =	ssyncset.done $0x0  }
0x9b: {  	s22 =	rddreg [dreg:$0x5];
	[sflag:s20] =	ssyncadd.s32 $0xFFFEC800  }
0x9c: {  	[hbm4b:s22+s3] =	stream.linear.scatter [tilespmem:s0], [sflag:$0x2], $0x13800, $0x38;
	[tilespmem:$0x13900] =	vst v63  }
0x9d: {  	_ =	swait.ge [sflag:s7], $0x13800  }
0x9e: {  	[sflag:s7] =	ssyncset.done $0x0  }
0x9f: {  	[sflag:s7] =	ssyncadd.s32 $0xFFFEC800  }
0xa0: {  	v3 =	vld [tilespmem:$0x68];
	_ =	sdelay $0x4  }
0xa1: {  	v58 =	vshrl.u32 v3, $0x3  }
0xa2: {  	v4 =	vmul.u32 $0x30, v58  }
0xa3: {  	v3 =	vand.u32 $0x7, v3  }
0xa4: {  	v3 =	vor.u32 v3, v4  }
0xa5: {  	v4 =	vperm.xlane v3, v0;
	_ =	sdelay $0x1  }
0xa6: {  	v4 =	vadd.s32 v1, v4;
	_ =	sdelay $0x3  }
0xa7: {  	v3 =	vperm.xlane v3, v2  }
0xa8: {  	[tilespmem:s0], [sflag:$0x1] =	stream.indirect_vreg.gather [hbm4b:s1+s3], $0x80, v4, vm0, $0xb8;
	[tilespmem:$0x13900] =	vst v63  }
0xa9: {  	v3 =	vadd.s32 v1, v3  }
0xaa: {  	[tilespmem:s23], [sflag:$0x1] =	stream.indirect_vreg.gather [hbm4b:s4+s3], $0x80, v4, vm0, $0xb8;
	[tilespmem:$0x13900] =	vst v63  }
0xab: {  	_ = 	snop  }
0xac: {  	[tilespmem:s24], [sflag:$0x1] =	stream.indirect_vreg.gather [hbm4b:s5+s3], $0x80, v4, vm0, $0xb8;
	[tilespmem:$0x13900] =	vst v63  }
0xad: {  	_ = 	snop  }
0xae: {  	[tilespmem:s25], [sflag:$0x1] =	stream.indirect_vreg.gather [hbm4b:s1+s3], $0x80, v3, vm0, $0xb8;
	[tilespmem:$0x13900] =	vst v63  }
0xaf: {  	_ = 	snop  }
0xb0: {  	[tilespmem:s26], [sflag:$0x1] =	stream.indirect_vreg.gather [hbm4b:s4+s3], $0x80, v3, vm0, $0xb8;
	[tilespmem:$0x13900] =	vst v63  }
0xb1: {  	_ = 	snop  }
0xb2: {  	[tilespmem:s28], [sflag:$0x1] =	stream.indirect_vreg.gather [hbm4b:s5+s3], $0x80, v3, vm0, $0xb8;
	[tilespmem:$0x13900] =	vst v63  }
0xb3: {  	v3 =	vld [tilespmem:$0x78];
	_ =	sdelay $0x4  }
0xb4: {  	v59 =	vshrl.u32 v3, $0x3  }
0xb5: {  	v4 =	vmul.u32 $0x30, v59  }
0xb6: {  	v3 =	vand.u32 $0x7, v3  }
0xb7: {  	v3 =	vor.u32 v3, v4  }
0xb8: {  	v4 =	vperm.xlane v3, v0;
	_ =	sdelay $0x1  }
0xb9: {  	v4 =	vadd.s32 v1, v4;
	_ =	sdelay $0x3  }
0xba: {  	v3 =	vperm.xlane v3, v2  }
0xbb: {  	[tilespmem:s29], [sflag:$0x1] =	stream.indirect_vreg.gather [hbm4b:s1+s3], $0x80, v4, vm0, $0xb8;
	[tilespmem:$0x13900] =	vst v63  }
0xbc: {  	v3 =	vadd.s32 v1, v3  }
0xbd: {  	[tilespmem:s30], [sflag:$0x1] =	stream.indirect_vreg.gather [hbm4b:s4+s3], $0x80, v4, vm0, $0xb8;
	[tilespmem:$0x13900] =	vst v63  }
0xbe: {  	_ = 	snop  }
0xbf: {  	[tilespmem:s31], [sflag:$0x1] =	stream.indirect_vreg.gather [hbm4b:s5+s3], $0x80, v4, vm0, $0xb8;
	[tilespmem:$0x13900] =	vst v63  }
0xc0: {  	_ = 	snop  }
0xc1: {  	[tilespmem:s2], [sflag:$0x1] =	stream.indirect_vreg.gather [hbm4b:s1+s3], $0x80, v3, vm0, $0xb8;
	[tilespmem:$0x13900] =	vst v63  }
0xc2: {  	s22 =	simm.s32 $0x5100  }
0xc3: {  	[tilespmem:s22], [sflag:$0x1] =	stream.indirect_vreg.gather [hbm4b:s4+s3], $0x80, v3, vm0, $0xb8;
	[tilespmem:$0x13900] =	vst v63  }
0xc4: {  	_ = 	snop  }
0xc5: {  	[tilespmem:s9], [sflag:$0x1] =	stream.indirect_vreg.gather [hbm4b:s5+s3], $0x80, v3, vm0, $0xb8;
	[tilespmem:$0x13900] =	vst v63  }
0xc6: {  	v3 =	vld [tilespmem:$0x88];
	_ =	sdelay $0x4  }
0xc7: {  	v60 =	vshrl.u32 v3, $0x3  }
0xc8: {  	v4 =	vmul.u32 $0x30, v60  }
0xc9: {  	v3 =	vand.u32 $0x7, v3  }
0xca: {  	v3 =	vor.u32 v3, v4  }
0xcb: {  	v4 =	vperm.xlane v3, v0;
	_ =	sdelay $0x1  }
0xcc: {  	v4 =	vadd.s32 v1, v4;
	_ =	sdelay $0x3  }
0xcd: {  	v3 =	vperm.xlane v3, v2  }
0xce: {  	[tilespmem:s10], [sflag:$0x1] =	stream.indirect_vreg.gather [hbm4b:s1+s3], $0x80, v4, vm0, $0xb8;
	[tilespmem:$0x13900] =	vst v63  }
0xcf: {  	v3 =	vadd.s32 v1, v3  }
0xd0: {  	[tilespmem:s11], [sflag:$0x1] =	stream.indirect_vreg.gather [hbm4b:s4+s3], $0x80, v4, vm0, $0xb8;
	[tilespmem:$0x13900] =	vst v63  }
0xd1: {  	_ = 	snop  }
0xd2: {  	[tilespmem:s12], [sflag:$0x1] =	stream.indirect_vreg.gather [hbm4b:s5+s3], $0x80, v4, vm0, $0xb8;
	[tilespmem:$0x13900] =	vst v63  }
0xd3: {  	_ = 	snop  }
0xd4: {  	[tilespmem:s13], [sflag:$0x1] =	stream.indirect_vreg.gather [hbm4b:s1+s3], $0x80, v3, vm0, $0xb8;
	[tilespmem:$0x13900] =	vst v63  }
0xd5: {  	_ = 	snop  }
0xd6: {  	[tilespmem:s14], [sflag:$0x1] =	stream.indirect_vreg.gather [hbm4b:s4+s3], $0x80, v3, vm0, $0xb8;
	[tilespmem:$0x13900] =	vst v63  }
0xd7: {  	_ = 	snop  }
0xd8: {  	[tilespmem:s15], [sflag:$0x1] =	stream.indirect_vreg.gather [hbm4b:s5+s3], $0x80, v3, vm0, $0xb8;
	[tilespmem:$0x13900] =	vst v63  }
0xd9: {  	v3 =	vld [tilespmem:$0x98];
	_ =	sdelay $0x4  }
0xda: {  	v61 =	vshrl.u32 v3, $0x3  }
0xdb: {  	v4 =	vmul.u32 $0x30, v61  }
0xdc: {  	v3 =	vand.u32 $0x7, v3  }
0xdd: {  	v3 =	vor.u32 v3, v4  }
0xde: {  	v4 =	vperm.xlane v3, v0;
	_ =	sdelay $0x1  }
0xdf: {  	v4 =	vadd.s32 v1, v4;
	_ =	sdelay $0x3  }
0xe0: {  	v3 =	vperm.xlane v3, v2  }
0xe1: {  	[tilespmem:s16], [sflag:$0x1] =	stream.indirect_vreg.gather [hbm4b:s1+s3], $0x80, v4, vm0, $0xb8;
	[tilespmem:$0x13900] =	vst v63  }
0xe2: {  	v3 =	vadd.s32 v1, v3  }
0xe3: {  	[tilespmem:s17], [sflag:$0x1] =	stream.indirect_vreg.gather [hbm4b:s4+s3], $0x80, v4, vm0, $0xb8;
	[tilespmem:$0x13900] =	vst v63  }
0xe4: {  	_ = 	snop  }
0xe5: {  	[tilespmem:s18], [sflag:$0x1] =	stream.indirect_vreg.gather [hbm4b:s5+s3], $0x80, v4, vm0, $0xb8;
	[tilespmem:$0x13900] =	vst v63  }
0xe6: {  	_ = 	snop  }
0xe7: {  	[tilespmem:s19], [sflag:$0x1] =	stream.indirect_vreg.gather [hbm4b:s1+s3], $0x80, v3, vm0, $0xb8;
	[tilespmem:$0x13900] =	vst v63  }
0xe8: {  	_ = 	snop  }
0xe9: {  	[tilespmem:s8], [sflag:$0x1] =	stream.indirect_vreg.gather [hbm4b:s4+s3], $0x80, v3, vm0, $0xb8;
	[tilespmem:$0x13900] =	vst v63  }
0xea: {  	s21 =	simm.s32 $0xB900  }
0xeb: {  	[tilespmem:s21], [sflag:$0x1] =	stream.indirect_vreg.gather [hbm4b:s5+s3], $0x80, v3, vm0, $0xb8;
	[tilespmem:$0x13900] =	vst v63  }
0xec: {  	v3 =	vld [tilespmem:$0xA8];
	_ =	sdelay $0x4  }
0xed: {  	v62 =	vshrl.u32 v3, $0x3  }
0xee: {  	v4 =	vmul.u32 $0x30, v62  }
0xef: {  	v3 =	vand.u32 $0x7, v3  }
0xf0: {  	v3 =	vor.u32 v3, v4  }
0xf1: {  	v4 =	vperm.xlane v3, v0;
	_ =	sdelay $0x1  }
0xf2: {  	v4 =	vadd.s32 v1, v4;
	_ =	sdelay $0x3  }
0xf3: {  	s22 =	simm.s32 $0xC100;
	v3 =	vperm.xlane v3, v2  }
0xf4: {  	[tilespmem:s22], [sflag:$0x1] =	stream.indirect_vreg.gather [hbm4b:s1+s3], $0x80, v4, vm0, $0xb8;
	[tilespmem:$0x13900] =	vst v63  }
0xf5: {  	s8 =	simm.s32 $0xC900;
	v3 =	vadd.s32 v1, v3  }
0xf6: {  	[tilespmem:s8], [sflag:$0x1] =	stream.indirect_vreg.gather [hbm4b:s4+s3], $0x80, v4, vm0, $0xb8;
	[tilespmem:$0x13900] =	vst v63  }
0xf7: {  	s21 =	simm.s32 $0xD100  }
0xf8: {  	[tilespmem:s21], [sflag:$0x1] =	stream.indirect_vreg.gather [hbm4b:s5+s3], $0x80, v4, vm0, $0xb8;
	[tilespmem:$0x13900] =	vst v63  }
0xf9: {  	s22 =	simm.s32 $0xD900  }
0xfa: {  	[tilespmem:s22], [sflag:$0x1] =	stream.indirect_vreg.gather [hbm4b:s1+s3], $0x80, v3, vm0, $0xb8;
	[tilespmem:$0x13900] =	vst v63  }
0xfb: {  	s8 =	simm.s32 $0xE100  }
0xfc: {  	[tilespmem:s8], [sflag:$0x1] =	stream.indirect_vreg.gather [hbm4b:s4+s3], $0x80, v3, vm0, $0xb8;
	[tilespmem:$0x13900] =	vst v63  }
0xfd: {  	s21 =	simm.s32 $0xE900  }
0xfe: {  	[tilespmem:s21], [sflag:$0x1] =	stream.indirect_vreg.gather [hbm4b:s5+s3], $0x80, v3, vm0, $0xb8;
	[tilespmem:$0x13900] =	vst v63  }
0xff: {  	v3 =	vld [tilespmem:$0xB8];
	_ =	sdelay $0x4  }
0x100: {  	v63 =	vshrl.u32 v3, $0x3  }
0x101: {  	v4 =	vmul.u32 $0x30, v63  }
0x102: {  	v3 =	vand.u32 $0x7, v3  }
0x103: {  	v3 =	vor.u32 v3, v4  }
0x104: {  	v4 =	vperm.xlane v3, v0;
	_ =	sdelay $0x1  }
0x105: {  	v4 =	vadd.s32 v1, v4;
	_ =	sdelay $0x3  }
0x106: {  	s22 =	simm.s32 $0xF100;
	v3 =	vperm.xlane v3, v2  }
0x107: {  	[tilespmem:s22], [sflag:$0x1] =	stream.indirect_vreg.gather [hbm4b:s1+s3], $0x80, v4, vm0, $0xb8;
	[tilespmem:$0x13900] =	vst v63  }
0x108: {  	s8 =	simm.s32 $0xF900;
	v3 =	vadd.s32 v1, v3  }
0x109: {  	[tilespmem:s8], [sflag:$0x1] =	stream.indirect_vreg.gather [hbm4b:s4+s3], $0x80, v4, vm0, $0xb8;
	[tilespmem:$0x13900] =	vst v63  }
0x10a: {  	s21 =	simm.s32 $0x10100  }
0x10b: {  	[tilespmem:s21], [sflag:$0x1] =	stream.indirect_vreg.gather [hbm4b:s5+s3], $0x80, v4, vm0, $0xb8;
	[tilespmem:$0x13900] =	vst v63  }
0x10c: {  	s22 =	simm.s32 $0x10900  }
0x10d: {  	[tilespmem:s22], [sflag:$0x1] =	stream.indirect_vreg.gather [hbm4b:s1+s3], $0x80, v3, vm0, $0xb8;
	[tilespmem:$0x13900] =	vst v63  }
0x10e: {  	s8 =	simm.s32 $0x11100  }
0x10f: {  	[tilespmem:s8], [sflag:$0x1] =	stream.indirect_vreg.gather [hbm4b:s4+s3], $0x80, v3, vm0, $0xb8;
	[tilespmem:$0x13900] =	vst v63  }
0x110: {  	s21 =	simm.s32 $0x11900  }
0x111: {  	[tilespmem:s21], [sflag:$0x1] =	stream.indirect_vreg.gather [hbm4b:s5+s3], $0x80, v3, vm0, $0xb8;
	[tilespmem:$0x13900] =	vst v63  }
0x112: {  	_ =	swait.ge [sflag:s20], $0x12000  }
0x113: {  	p0 =	sne.s32 s6, $0x1;
	[sflag:s20] =	ssyncset.done $0x0  }
.Ltmp0:
0x114: {  	s22 =	rddreg [dreg:$0x6];
	[sflag:s20] =	ssyncadd.s32 $0xFFFEE000;
	(pc) =	sbr.rel @p0 .LBB2_1-.Ltmp0, $4  }
0x115: {  	[hbm4b:s22+s3] =	stream.linear.scatter [tilespmem:s0], [sflag:$0x2], $0x12000, $0x38;
	[tilespmem:$0x13900] =	vst v63  }
0x116: {  	_ =	swait.ge [sflag:s7], $0x12000  }
0x117: {  	[sflag:s7] =	ssyncset.done $0x0  }
0x118: {  	s6 =	sadd.s32 $0xFFFFFFFF, s6;
	[sflag:s7] =	ssyncadd.s32 $0xFFFEE000  }
0x119: {  	_ =	sfence.sel $0x180000  }
0x11a: {  	[bflag:$0x0] =	sbarrier.arrive $0xFFFF  }
0x11b: {  	_ =	strace $0x90000047  }
0x11c: {  	s0 =	stileid.u32;
	[bflag:$0x2] =	sbarrier.arrive $0xFFFF  }
0x11d: {  	p0 =	sne.s32 s0, $0x0;
	s0 =	rddreg [dreg:$0x3]  }
0x11e: {  	s0 =	sadd.s32 @!p0 $0x100000, s0  }
0x11f: {  	[sflag:s0] =	ssyncadd.tile.s32 @!p0 $0x1;
	_ =	shalt  }
.Lfunc_end2:
_tile_overlayer_lowered:
.L_overlay_start_2:
0x120: {  	(tag) =	ssettag $0x2  }
0x121: {  	s0 =	rddreg [dreg:$0x0];
	s2 =	stileid.u32  }
0x122: {  	s1 =	rddreg [dreg:$0x1];
	p0 =	sne.s32 s2, $0x0  }
0x123: {  	s3 =	rddreg [dreg:$0x2];
	[bflag:$0x3] =	sbarrier.arrive $0xFFFF;
	s2 =	simm.s32 @!p0 $0x1C02  }
0x124: {  	[timem:s3], [sflag:s2] =	dma.local @!p0 [hbm:s0], s1  }
0x125: {  	s0 =	simm.s32 @!p0 $0x2  }
0x126: {  	_ =	swait.ge @!p0 [sflag:s0], s1  }
0x127: {  	s1 =	ssub.s32 @!p0 $0x0, s1;
	[sflag:s0] =	ssyncset.done @!p0 $0x0  }
0x128: {  	[sflag:s0] =	ssyncadd.s32 @!p0 s1  }
0x129: {  	[bflag:$0x3] =	sbarrier.arrive $0xFFFF  }
0x12a: {  	_ =	shalt  }

</sc_bundles>
